<compile_context>
chip_gen: v7x
topology: tpu7x:2x2x1
jax: 0.10.2.dev20260603
libtpu: 0.0.44.dev20260713+nightly
codegen_flags: <defaults>
</compile_context>

<pallas_src>
import functools

import jax
import jax.numpy as jnp
from jax import lax
from jax.experimental import pallas as pl
from jax.experimental.pallas import tpu as pltpu
from jax.experimental.pallas import tpu_sc as plsc


_R = 2000


def _max_body(yp_ref, out_ref):
    xt = yp_ref[...].T
    out_ref[0] = jnp.max(xt, axis=0, keepdims=True)


def _row_max(y_pred):
    N, C = y_pred.shape
    grid = N // _R
    out = pl.pallas_call(
        _max_body,
        grid=(grid,),
        in_specs=[pl.BlockSpec((_R, C), lambda i: (i, 0))],
        out_specs=pl.BlockSpec((1, 1, _R), lambda i: (i, 0, 0)),
        out_shape=jax.ShapeDtypeStruct((grid, 1, _R), jnp.float32),
        compiler_params=pltpu.CompilerParams(
            dimension_semantics=("arbitrary",),
        ),
    )(y_pred)
    return out.reshape(N)


_S = 7936
_SROWS = _S // 128
_NSUB = 16
_NLANE = 16


def _sc_body(C, N, ypf, yt_hbm, m_hbm, w_hbm, out_hbm,
             yt_v, m_v, idx_v, vt_v, idxt_v, vtt_v, hist_v, big_v,
             shared_hist, red_v, w_v, dsem):
    wid = lax.axis_index("s")
    nchunks = N // _S
    ntail = N - nchunks * _S
    lane = lax.broadcasted_iota(jnp.int32, (_NLANE,), 0)
    laneC = lane * C
    lane128 = lane * 128
    ones16 = jnp.ones((_NLANE,), jnp.float32)
    zeros16 = jnp.zeros((_NLANE,), jnp.float32)

    def _z(g, _):
        hist_v[pl.ds(g * _NLANE, _NLANE)] = zeros16
        return 0
    lax.fori_loop(0, 4096 // _NLANE, _z, 0)

    nmine = (nchunks - wid + _NSUB - 1) // _NSUB

    def _chunk(k, _):
        cid = wid + k * _NSUB
        base = cid * _S
        pltpu.sync_copy(yt_hbm.at[pl.ds(base, _S)], yt_v)
        pltpu.sync_copy(m_hbm.at[pl.ds(base, _S)], m_v)

        def _mkidx(g, _):
            yt16 = yt_v[pl.ds(g * _NLANE, _NLANE)]
            idx16 = (base + g * _NLANE) * C + laneC + yt16
            idx_v[pl.ds(g * _NLANE, _NLANE)] = idx16
            return 0
        lax.fori_loop(0, _S // _NLANE, _mkidx, 0)

        pltpu.async_copy(ypf.at[idx_v], vt_v, dsem).wait()

        def _acc(g, _):
            yt16 = yt_v[pl.ds(g * _NLANE, _NLANE)]
            m16 = m_v[pl.ds(g * _NLANE, _NLANE)]
            vt16 = vt_v[pl.ds(g * _NLANE, _NLANE)]
            hidx = lane128 + yt16
            valp = jnp.where(vt16 == m16, 1.0, 0.0)
            plsc.addupdate_scatter(hist_v, [hidx], ones16)
            plsc.addupdate_scatter(hist_v, [hidx + 2048], valp)
            return 0
        lax.fori_loop(0, _S // _NLANE, _acc, 0)
        return 0

    lax.fori_loop(0, nmine, _chunk, 0)

    if ntail > 0:
        @pl.when(wid == _NSUB - 1)
        def _tail():
            base = nchunks * _S

            def _zi(g, _):
                idxt_v[pl.ds(g * _NLANE, _NLANE)] = jnp.zeros(
                    (_NLANE,), jnp.int32)
                return 0
            lax.fori_loop(0, 128 // _NLANE, _zi, 0)
            pltpu.sync_copy(yt_hbm.at[pl.ds(base, ntail)],
                            idxt_v.at[pl.ds(0, ntail)])
            pltpu.sync_copy(m_hbm.at[pl.ds(base, ntail)],
                            vtt_v.at[pl.ds(0, ntail)])

            def _mkidx(g, _):
                yt16 = idxt_v[pl.ds(g * _NLANE, _NLANE)]
                idxt_v[pl.ds(g * _NLANE, _NLANE)] = (
                    (base + g * _NLANE) * C + laneC + yt16)
                return 0
            lax.fori_loop(0, ntail // _NLANE, _mkidx, 0)
            pltpu.async_copy(ypf.at[idxt_v], vt_v.at[pl.ds(0, 128)],
                             dsem).wait()

            def _acc(g, _):
                m16 = vtt_v[pl.ds(g * _NLANE, _NLANE)]
                vt16 = vt_v[pl.ds(g * _NLANE, _NLANE)]
                idx16 = idxt_v[pl.ds(g * _NLANE, _NLANE)]
                yt16 = idx16 - (base + g * _NLANE) * C - laneC
                hidx = lane128 + yt16
                valp = jnp.where(vt16 == m16, 1.0, 0.0)
                plsc.addupdate_scatter(hist_v, [hidx], ones16)
                plsc.addupdate_scatter(hist_v, [hidx + 2048], valp)
                return 0
            lax.fori_loop(0, ntail // _NLANE, _acc, 0)

    pltpu.sync_copy(hist_v, shared_hist.at[wid])
    plsc.subcore_barrier()

    @pl.when(wid == 0)
    def _fin():
        pltpu.sync_copy(shared_hist, big_v)
        pltpu.sync_copy(w_hbm, w_v)

        def _cls(c8, carry):
            num16, den16 = carry

            def _slot(i, carry2):
                t16a, p16a = carry2
                t = i // _NSUB
                l = i % _NSUB
                off = l * 128 + c8 * _NLANE
                t16a = t16a + big_v[t, pl.ds(off, _NLANE)]
                p16a = p16a + big_v[t, pl.ds(2048 + off, _NLANE)]
                return (t16a, p16a)
            t16, p16 = lax.fori_loop(0, _NSUB * _NSUB, _slot,
                                     (zeros16, zeros16))
            acc16 = jnp.where(t16 > 0, p16 / jnp.maximum(t16, 1.0), 0.0)
            w16 = w_v[pl.ds(c8 * _NLANE, _NLANE)]
            return (num16 + acc16 * w16, den16 + w16)

        num16, den16 = lax.fori_loop(0, 8, _cls, (zeros16, zeros16))
        num = jnp.broadcast_to(jnp.sum(num16), (_NLANE,))
        den = jnp.broadcast_to(jnp.sum(den16), (_NLANE,))
        red_v[...] = num / den
        pltpu.sync_copy(red_v, out_hbm)
    plsc.subcore_barrier()


def _sc_stage(y_pred, y_true, m, weights_pad):
    N, C = y_pred.shape
    mesh = plsc.VectorSubcoreMesh(
        core_axis_name="c", subcore_axis_name="s", num_cores=1)
    kfn = pl.kernel(
        functools.partial(_sc_body, C, N),
        mesh=mesh,
        out_type=jax.ShapeDtypeStruct((_NLANE,), jnp.float32),
        scratch_types=[
            pltpu.VMEM((_S,), jnp.int32),
            pltpu.VMEM((_S,), jnp.float32),
            pltpu.VMEM((_S,), jnp.int32),
            pltpu.VMEM((_S,), jnp.float32),
            pltpu.VMEM((128,), jnp.int32),
            pltpu.VMEM((128,), jnp.float32),
            pltpu.VMEM((4096,), jnp.float32),
            pltpu.VMEM((_NSUB, 4096), jnp.float32),
            pltpu.VMEM_SHARED((_NSUB, 4096), jnp.float32),
            pltpu.VMEM((_NLANE,), jnp.float32),
            pltpu.VMEM((128,), jnp.float32),
            pltpu.SemaphoreType.DMA,
        ],
        compiler_params=pltpu.CompilerParams(needs_layout_passes=False),
    )
    return kfn(y_pred.reshape(-1), y_true, m, weights_pad)


def kernel(y_pred, y_true, weights):
    N, C = y_pred.shape
    yt = y_true.astype(jnp.int32)
    w_pad = jnp.pad(weights, (0, 128 - C))
    m = _row_max(y_pred)
    out = _sc_stage(y_pred, yt, m, w_pad)
    return out[0]

# --- scband reference (transcript-rebuilt; emitter-appended) ---
"""Pipeline reference for scband-weighted-accuracy-30150670418118 (READ-ONLY COPY).

The authoritative reference and input builder live on the scoring server;
editing this copy changes nothing except your own understanding.
"""

import jax, jax.numpy as jnp
import numpy as np


def setup_inputs(seed: int = 0) -> dict:
    key = jax.random.key(seed)
    k1, k2, k3 = jax.random.split(key, 3)
    N = 1000000
    C = 100
    y_pred = jax.random.normal(k1, (N, C), dtype=jnp.float32)
    y_true = jax.random.randint(k2, (N,), 0, C, dtype=jnp.int64)
    weights = jax.random.uniform(k3, (C,), dtype=jnp.float32)
    return {"y_pred": y_pred, "y_true": y_true, "weights": weights}


def reference(y_pred, y_true, weights):
    num_labels = weights.shape[0]
    pred = jnp.argmax(y_pred, axis=1)
    correct = pred == y_true
    # torch: bincount(pred[correct], minlength=C). Equivalent: route incorrect
    # predictions to an overflow bin and drop it (static shapes, jit-safe).
    y_pred_counts = jnp.bincount(
        jnp.where(correct, pred, num_labels), length=num_labels + 1
    )[:num_labels]
    y_true_counts = jnp.bincount(y_true, length=num_labels)
    is_not_null = y_true_counts > 0
    accuracy = jnp.where(
        is_not_null,
        y_pred_counts.astype(jnp.float32)
        / jnp.maximum(y_true_counts, 1).astype(jnp.float32),
        jnp.zeros((), dtype=jnp.float32),
    )
    out = jnp.dot(accuracy, weights) / jnp.sum(weights)
    return out

if __name__ == "__main__":
    import jax
    _d = setup_inputs()
    print(jax.jit(kernel)(*tuple(_d.values())))

</pallas_src>

<mosaic_0001>
#map = affine_map<(d0, d1) -> (0)>
module attributes {stable_mosaic.version = 14 : i64} {
  func.func @_sc_body(%arg0: i32, %arg1: i32, %arg2: memref<100000000xf32, #tpu.memory_space<hbm>>, %arg3: memref<1000000xi32, #tpu.memory_space<hbm>>, %arg4: memref<1000000xf32, #tpu.memory_space<hbm>>, %arg5: memref<128xf32, #tpu.memory_space<hbm>>, %arg6: memref<16xf32, #tpu.memory_space<hbm>>, %arg7: memref<7936xi32, #tpu.memory_space<vmem>>, %arg8: memref<7936xf32, #tpu.memory_space<vmem>>, %arg9: memref<7936xi32, #tpu.memory_space<vmem>>, %arg10: memref<7936xf32, #tpu.memory_space<vmem>>, %arg11: memref<128xi32, #tpu.memory_space<vmem>>, %arg12: memref<128xf32, #tpu.memory_space<vmem>>, %arg13: memref<4096xf32, #tpu.memory_space<vmem>>, %arg14: memref<16x4096xf32, #tpu.memory_space<vmem>>, %arg15: memref<16x4096xf32, #tpu.memory_space<vmem_shared>>, %arg16: memref<16xf32, #tpu.memory_space<vmem>>, %arg17: memref<128xf32, #tpu.memory_space<vmem>>, %arg18: memref<!tpu.dma_semaphore, #tpu.memory_space<semaphore_mem>>) attributes {dimension_semantics = [#tpu.dimension_semantics<core_parallel>, #tpu.dimension_semantics<subcore_parallel>], iteration_bounds = array<i64: 1, 16>, scalar_prefetch = 0 : i64, scratch_operands = 12 : i64, tpu.core_type = #tpu.core_type<sc_vector_subcore>, window_params = [{transform_indices = #map}, {transform_indices = #map}, {transform_indices = #map}, {transform_indices = #map}, {transform_indices = #map}]} {
    %iota3A = tpu.iota {dimensions = array<i32: 0>} : vector<16xi32>
    %mul3A = arith.constant 100 : i32
    %mul3A_0 = vector.broadcast %mul3A : i32 to vector<16xi32>
    %mul3A_1 = arith.muli %iota3A, %mul3A_0 : vector<16xi32>
    %mul3A_2 = arith.constant 128 : i32
    %mul3A_3 = vector.broadcast %mul3A_2 : i32 to vector<16xi32>
    %mul3A_4 = arith.muli %iota3A, %mul3A_3 : vector<16xi32>
    %broadcast_in_dim3A = arith.constant 1.000000e+00 : f32
    %broadcast_in_dim3A_5 = vector.broadcast %broadcast_in_dim3A : f32 to vector<16xf32>
    %broadcast_in_dim3A_6 = arith.constant 0.000000e+00 : f32
    %broadcast_in_dim3A_7 = vector.broadcast %broadcast_in_dim3A_6 : f32 to vector<16xf32>
    %scan3A = arith.constant 0 : i32
    %scan3A_8 = arith.constant 0 : i32
    %scan3A_9 = arith.constant 256 : i32
    %scan3A_10 = arith.addi %scan3A_8, %scan3A_9 : i32
    %scan3A_11 = arith.constant 1 : i32
    %scan3A_12 = scf.for %scan3A_54 = %scan3A_8 to %scan3A_10 step %scan3A_11 iter_args(%scan3A_55 = %scan3A) -> (i32)  : i32 {
      %mul3A_56 = arith.constant 16 : i32
      %mul3A_57 = arith.muli %scan3A_54, %mul3A_56 : i32
      %swap3A = arith.index_cast %mul3A_57 : i32 to index
      %swap3A_58 = tpu.vector_load %arg13[%swap3A] {strides = array<i32>} : memref<4096xf32, #tpu.memory_space<vmem>>, vector<16xf32>,
      tpu.vector_store %arg13[%swap3A], %broadcast_in_dim3A_7 {strides = array<i32>} : memref<4096xf32, #tpu.memory_space<vmem>>, vector<16xf32>,
      %scan3A_59 = arith.constant 0 : i32
      scf.yield %scan3A_59 : i32
    }
    %scan3A_13 = arith.constant 256 : i32
    %sub3A = arith.constant 126 : i32
    %sub3A_14 = arith.subi %sub3A, %arg1 : i32
    %add3A = arith.constant 16 : i32
    %add3A_15 = arith.addi %sub3A_14, %add3A : i32
    %sub3A_16 = arith.constant 1 : i32
    %sub3A_17 = arith.subi %add3A_15, %sub3A_16 : i32
    %jit3A = arith.constant 16 : i32
    %div3A = arith.divsi %sub3A_17, %jit3A : i32
    %sign3A = arith.constant 0 : i32
    %sign3A_18 = arith.cmpi sgt, %sub3A_17, %sign3A : i32
    %sign3A_19 = arith.extui %sign3A_18 : i1 to i32
    %sign3A_20 = arith.constant 0 : i32
    %sign3A_21 = arith.cmpi slt, %sub3A_17, %sign3A_20 : i32
    %sign3A_22 = arith.extui %sign3A_21 : i1 to i32
    %sign3A_23 = arith.subi %sign3A_19, %sign3A_22 : i32
    %sign3A_24 = arith.constant 0 : i32
    %sign3A_25 = arith.cmpi sgt, %jit3A, %sign3A_24 : i32
    %sign3A_26 = arith.extui %sign3A_25 : i1 to i32
    %sign3A_27 = arith.constant 0 : i32
    %sign3A_28 = arith.cmpi slt, %jit3A, %sign3A_27 : i32
    %sign3A_29 = arith.extui %sign3A_28 : i1 to i32
    %sign3A_30 = arith.subi %sign3A_26, %sign3A_29 : i32
    %ne3A = arith.cmpi ne, %sign3A_23, %sign3A_30 : i32
    %rem3A = arith.remsi %sub3A_17, %jit3A : i32
    %ne3A_31 = arith.constant 0 : i32
    %ne3A_32 = arith.cmpi ne, %rem3A, %ne3A_31 : i32
    %and3A = arith.andi %ne3A, %ne3A_32 : i1
    %sub3A_33 = arith.constant 1 : i32
    %sub3A_34 = arith.subi %div3A, %sub3A_33 : i32
    %select_n3A = arith.select %and3A, %sub3A_34, %div3A : i32
    %while3A = arith.constant 0 : i32
    %while3A_35 = arith.constant 0 : i32
    %while3A_36 = arith.subi %select_n3A, %while3A : i32
    %while3A_37 = arith.addi %while3A, %while3A_36 : i32
    %while3A_38 = arith.constant 1 : i32
    %while3A_39 = arith.divsi %while3A_36, %while3A_38 : i32
    %while3A_40 = arith.muli %while3A_39, %while3A_38 : i32
    %while3A_41 = arith.addi %while3A, %while3A_40 : i32
    %while3A_42 = arith.constant 1 : i32
    %while3A_43 = scf.for %while3A_54 = %while3A to %while3A_41 step %while3A_42 iter_args(%while3A_55 = %while3A_35) -> (i32)  : i32 {
      %mul3A_56 = arith.constant 16 : i32
      %mul3A_57 = arith.muli %while3A_54, %mul3A_56 : i32
      %add3A_58 = arith.addi %arg1, %mul3A_57 : i32
      %mul3A_59 = arith.constant 7936 : i32
      %mul3A_60 = arith.muli %add3A_58, %mul3A_59 : i32
      "tpu.region"() ({
        %run_scoped3A = tpu.sem_alloc : memref<!tpu.dma_semaphore, #tpu.memory_space<semaphore_mem>>
        %dma_start3A_78 = tpu.memref_slice %arg3[%mul3A_60] : memref<1000000xi32, #tpu.memory_space<hbm>> -> memref<7936xi32, #tpu.memory_space<hbm>>
        %dma_start3A_79 = tpu.memref_slice %arg3[%mul3A_60] : memref<1000000xi32, #tpu.memory_space<hbm>> -> memref<7936xi32, #tpu.memory_space<hbm>>
        tpu.enqueue_dma source(%dma_start3A_79 : memref<7936xi32, #tpu.memory_space<hbm>>) target(%arg7 : memref<7936xi32, #tpu.memory_space<vmem>>) target_semaphore(%run_scoped3A : memref<!tpu.dma_semaphore, #tpu.memory_space<semaphore_mem>>)
        %dma_wait3A_80 = tpu.memref_slice %arg3[%mul3A_60] : memref<1000000xi32, #tpu.memory_space<hbm>> -> memref<7936xi32, #tpu.memory_space<hbm>>
        %dma_wait3A_81 = tpu.memref_slice %arg3[%mul3A_60] : memref<1000000xi32, #tpu.memory_space<hbm>> -> memref<7936xi32, #tpu.memory_space<hbm>>
        tpu.wait_dma2 semaphore(%run_scoped3A : memref<!tpu.dma_semaphore, #tpu.memory_space<semaphore_mem>>) src(%dma_wait3A_81 : memref<7936xi32, #tpu.memory_space<hbm>>) dst(%arg7 : memref<7936xi32, #tpu.memory_space<vmem>>)
        tpu.yield
      }) : () -> ()
      "tpu.region"() ({
        %run_scoped3A = tpu.sem_alloc : memref<!tpu.dma_semaphore, #tpu.memory_space<semaphore_mem>>
        %dma_start3A_78 = tpu.memref_slice %arg4[%mul3A_60] : memref<1000000xf32, #tpu.memory_space<hbm>> -> memref<7936xf32, #tpu.memory_space<hbm>>
        %dma_start3A_79 = tpu.memref_slice %arg4[%mul3A_60] : memref<1000000xf32, #tpu.memory_space<hbm>> -> memref<7936xf32, #tpu.memory_space<hbm>>
        tpu.enqueue_dma source(%dma_start3A_79 : memref<7936xf32, #tpu.memory_space<hbm>>) target(%arg8 : memref<7936xf32, #tpu.memory_space<vmem>>) target_semaphore(%run_scoped3A : memref<!tpu.dma_semaphore, #tpu.memory_space<semaphore_mem>>)
        %dma_wait3A_80 = tpu.memref_slice %arg4[%mul3A_60] : memref<1000000xf32, #tpu.memory_space<hbm>> -> memref<7936xf32, #tpu.memory_space<hbm>>
        %dma_wait3A_81 = tpu.memref_slice %arg4[%mul3A_60] : memref<1000000xf32, #tpu.memory_space<hbm>> -> memref<7936xf32, #tpu.memory_space<hbm>>
        tpu.wait_dma2 semaphore(%run_scoped3A : memref<!tpu.dma_semaphore, #tpu.memory_space<semaphore_mem>>) src(%dma_wait3A_81 : memref<7936xf32, #tpu.memory_space<hbm>>) dst(%arg8 : memref<7936xf32, #tpu.memory_space<vmem>>)
        tpu.yield
      }) : () -> ()
      %scan3A_61 = arith.constant 0 : i32
      %scan3A_62 = arith.constant 0 : i32
      %scan3A_63 = arith.constant 496 : i32
      %scan3A_64 = arith.addi %scan3A_62, %scan3A_63 : i32
      %scan3A_65 = arith.constant 1 : i32
      %scan3A_66 = scf.for %scan3A_78 = %scan3A_62 to %scan3A_64 step %scan3A_65 iter_args(%scan3A_79 = %scan3A_61) -> (i32)  : i32 {
        %mul3A_80 = arith.constant 16 : i32
        %mul3A_81 = arith.muli %scan3A_78, %mul3A_80 : i32
        %get3A = arith.index_cast %mul3A_81 : i32 to index
        %get3A_82 = tpu.vector_load %arg7[%get3A] {strides = array<i32>} : memref<7936xi32, #tpu.memory_space<vmem>>, vector<16xi32>,
        %mul3A_83 = arith.constant 16 : i32
        %mul3A_84 = arith.muli %scan3A_78, %mul3A_83 : i32
        %add3A_85 = arith.addi %mul3A_60, %mul3A_84 : i32
        %mul3A_86 = arith.constant 100 : i32
        %mul3A_87 = arith.muli %add3A_85, %mul3A_86 : i32
        %add3A_88 = vector.broadcast %mul3A_87 : i32 to vector<16xi32>
        %add3A_89 = arith.addi %add3A_88, %mul3A_1 : vector<16xi32>
        %add3A_90 = arith.addi %add3A_89, %get3A_82 : vector<16xi32>
        %mul3A_91 = arith.constant 16 : i32
        %mul3A_92 = arith.muli %scan3A_78, %mul3A_91 : i32
        %swap3A = arith.index_cast %mul3A_92 : i32 to index
        %swap3A_93 = tpu.vector_load %arg9[%swap3A] {strides = array<i32>} : memref<7936xi32, #tpu.memory_space<vmem>>, vector<16xi32>,
        tpu.vector_store %arg9[%swap3A], %add3A_90 {strides = array<i32>} : memref<7936xi32, #tpu.memory_space<vmem>>, vector<16xi32>,
        %scan3A_94 = arith.constant 0 : i32
        scf.yield %scan3A_94 : i32
      }
      %scan3A_67 = arith.constant 496 : i32
      %dma_start3A = arith.constant 0 : i32
      %dma_start3A_68 = tpu.memref_slice %arg2[%dma_start3A] : memref<100000000xf32, #tpu.memory_space<hbm>> -> memref<100000000xf32, #tpu.memory_space<hbm>>
      tpu.enqueue_indirect_dma source(%dma_start3A_68 : memref<100000000xf32, #tpu.memory_space<hbm>>) target(%arg10 : memref<7936xf32, #tpu.memory_space<vmem>>) offsets(%arg9 : memref<7936xi32, #tpu.memory_space<vmem>>) semaphore(%arg18 : memref<!tpu.dma_semaphore, #tpu.memory_space<semaphore_mem>>)
      %dma_wait3A = arith.constant 0 : i32
      %dma_wait3A_69 = tpu.memref_slice %arg2[%dma_wait3A] : memref<100000000xf32, #tpu.memory_space<hbm>> -> memref<100000000xf32, #tpu.memory_space<hbm>>
      tpu.wait_indirect_dma semaphore(%arg18 : memref<!tpu.dma_semaphore, #tpu.memory_space<semaphore_mem>>) src(%dma_wait3A_69 : memref<100000000xf32, #tpu.memory_space<hbm>>) dst(%arg10 : memref<7936xf32, #tpu.memory_space<vmem>>)
      %scan3A_70 = arith.constant 0 : i32
      %scan3A_71 = arith.constant 0 : i32
      %scan3A_72 = arith.constant 496 : i32
      %scan3A_73 = arith.addi %scan3A_71, %scan3A_72 : i32
      %scan3A_74 = arith.constant 1 : i32
      %scan3A_75 = scf.for %scan3A_78 = %scan3A_71 to %scan3A_73 step %scan3A_74 iter_args(%scan3A_79 = %scan3A_70) -> (i32)  : i32 {
        %mul3A_80 = arith.constant 16 : i32
        %mul3A_81 = arith.muli %scan3A_78, %mul3A_80 : i32
        %get3A = arith.index_cast %mul3A_81 : i32 to index
        %get3A_82 = tpu.vector_load %arg7[%get3A] {strides = array<i32>} : memref<7936xi32, #tpu.memory_space<vmem>>, vector<16xi32>,
        %mul3A_83 = arith.constant 16 : i32
        %mul3A_84 = arith.muli %scan3A_78, %mul3A_83 : i32
        %get3A_85 = arith.index_cast %mul3A_84 : i32 to index
        %get3A_86 = tpu.vector_load %arg8[%get3A_85] {strides = array<i32>} : memref<7936xf32, #tpu.memory_space<vmem>>, vector<16xf32>,
        %mul3A_87 = arith.constant 16 : i32
        %mul3A_88 = arith.muli %scan3A_78, %mul3A_87 : i32
        %get3A_89 = arith.index_cast %mul3A_88 : i32 to index
        %get3A_90 = tpu.vector_load %arg10[%get3A_89] {strides = array<i32>} : memref<7936xf32, #tpu.memory_space<vmem>>, vector<16xf32>,
        %add3A_91 = arith.addi %mul3A_4, %get3A_82 : vector<16xi32>
        %eq3A_92 = arith.cmpf oeq, %get3A_90, %get3A_86 : vector<16xf32>
        %jit3A_93 = arith.constant 1.000000e+00 : f32
        %jit3A_94 = arith.constant 0.000000e+00 : f32
        %broadcast_in_dim3A_95 = vector.broadcast %jit3A_93 : f32 to vector<16xf32>
        %broadcast_in_dim3A_96 = vector.broadcast %jit3A_94 : f32 to vector<16xf32>
        %select_n3A_97 = arith.select %eq3A_92, %broadcast_in_dim3A_95, %broadcast_in_dim3A_96 : vector<16xi1>, vector<16xf32>
        tpu.vector_store_idx %arg13[%add3A_91], %broadcast_in_dim3A_5 {add = true} : memref<4096xf32, #tpu.memory_space<vmem>>[vector<16xi32>], vector<16xf32>,
        %add3A_98 = arith.constant 2048 : i32
        %add3A_99 = vector.broadcast %add3A_98 : i32 to vector<16xi32>
        %add3A_100 = arith.addi %add3A_91, %add3A_99 : vector<16xi32>
        tpu.vector_store_idx %arg13[%add3A_100], %select_n3A_97 {add = true} : memref<4096xf32, #tpu.memory_space<vmem>>[vector<16xi32>], vector<16xf32>,
        %scan3A_101 = arith.constant 0 : i32
        scf.yield %scan3A_101 : i32
      }
      %scan3A_76 = arith.constant 496 : i32
      %while3A_77 = arith.constant 0 : i32
      scf.yield %while3A_77 : i32
    }
    %while3A_44 = arith.constant 1 : i32
    %while3A_45 = scf.for %while3A_54 = %while3A_41 to %while3A_37 step %while3A_44 iter_args(%while3A_55 = %while3A_43) -> (i32)  : i32 {
      %mul3A_56 = arith.constant 16 : i32
      %mul3A_57 = arith.muli %while3A_54, %mul3A_56 : i32
      %add3A_58 = arith.addi %arg1, %mul3A_57 : i32
      %mul3A_59 = arith.constant 7936 : i32
      %mul3A_60 = arith.muli %add3A_58, %mul3A_59 : i32
      "tpu.region"() ({
        %run_scoped3A = tpu.sem_alloc : memref<!tpu.dma_semaphore, #tpu.memory_space<semaphore_mem>>
        %dma_start3A_78 = tpu.memref_slice %arg3[%mul3A_60] : memref<1000000xi32, #tpu.memory_space<hbm>> -> memref<7936xi32, #tpu.memory_space<hbm>>
        %dma_start3A_79 = tpu.memref_slice %arg3[%mul3A_60] : memref<1000000xi32, #tpu.memory_space<hbm>> -> memref<7936xi32, #tpu.memory_space<hbm>>
        tpu.enqueue_dma source(%dma_start3A_79 : memref<7936xi32, #tpu.memory_space<hbm>>) target(%arg7 : memref<7936xi32, #tpu.memory_space<vmem>>) target_semaphore(%run_scoped3A : memref<!tpu.dma_semaphore, #tpu.memory_space<semaphore_mem>>)
        %dma_wait3A_80 = tpu.memref_slice %arg3[%mul3A_60] : memref<1000000xi32, #tpu.memory_space<hbm>> -> memref<7936xi32, #tpu.memory_space<hbm>>
        %dma_wait3A_81 = tpu.memref_slice %arg3[%mul3A_60] : memref<1000000xi32, #tpu.memory_space<hbm>> -> memref<7936xi32, #tpu.memory_space<hbm>>
        tpu.wait_dma2 semaphore(%run_scoped3A : memref<!tpu.dma_semaphore, #tpu.memory_space<semaphore_mem>>) src(%dma_wait3A_81 : memref<7936xi32, #tpu.memory_space<hbm>>) dst(%arg7 : memref<7936xi32, #tpu.memory_space<vmem>>)
        tpu.yield
      }) : () -> ()
      "tpu.region"() ({
        %run_scoped3A = tpu.sem_alloc : memref<!tpu.dma_semaphore, #tpu.memory_space<semaphore_mem>>
        %dma_start3A_78 = tpu.memref_slice %arg4[%mul3A_60] : memref<1000000xf32, #tpu.memory_space<hbm>> -> memref<7936xf32, #tpu.memory_space<hbm>>
        %dma_start3A_79 = tpu.memref_slice %arg4[%mul3A_60] : memref<1000000xf32, #tpu.memory_space<hbm>> -> memref<7936xf32, #tpu.memory_space<hbm>>
        tpu.enqueue_dma source(%dma_start3A_79 : memref<7936xf32, #tpu.memory_space<hbm>>) target(%arg8 : memref<7936xf32, #tpu.memory_space<vmem>>) target_semaphore(%run_scoped3A : memref<!tpu.dma_semaphore, #tpu.memory_space<semaphore_mem>>)
        %dma_wait3A_80 = tpu.memref_slice %arg4[%mul3A_60] : memref<1000000xf32, #tpu.memory_space<hbm>> -> memref<7936xf32, #tpu.memory_space<hbm>>
        %dma_wait3A_81 = tpu.memref_slice %arg4[%mul3A_60] : memref<1000000xf32, #tpu.memory_space<hbm>> -> memref<7936xf32, #tpu.memory_space<hbm>>
        tpu.wait_dma2 semaphore(%run_scoped3A : memref<!tpu.dma_semaphore, #tpu.memory_space<semaphore_mem>>) src(%dma_wait3A_81 : memref<7936xf32, #tpu.memory_space<hbm>>) dst(%arg8 : memref<7936xf32, #tpu.memory_space<vmem>>)
        tpu.yield
      }) : () -> ()
      %scan3A_61 = arith.constant 0 : i32
      %scan3A_62 = arith.constant 0 : i32
      %scan3A_63 = arith.constant 496 : i32
      %scan3A_64 = arith.addi %scan3A_62, %scan3A_63 : i32
      %scan3A_65 = arith.constant 1 : i32
      %scan3A_66 = scf.for %scan3A_78 = %scan3A_62 to %scan3A_64 step %scan3A_65 iter_args(%scan3A_79 = %scan3A_61) -> (i32)  : i32 {
        %mul3A_80 = arith.constant 16 : i32
        %mul3A_81 = arith.muli %scan3A_78, %mul3A_80 : i32
        %get3A = arith.index_cast %mul3A_81 : i32 to index
        %get3A_82 = tpu.vector_load %arg7[%get3A] {strides = array<i32>} : memref<7936xi32, #tpu.memory_space<vmem>>, vector<16xi32>,
        %mul3A_83 = arith.constant 16 : i32
        %mul3A_84 = arith.muli %scan3A_78, %mul3A_83 : i32
        %add3A_85 = arith.addi %mul3A_60, %mul3A_84 : i32
        %mul3A_86 = arith.constant 100 : i32
        %mul3A_87 = arith.muli %add3A_85, %mul3A_86 : i32
        %add3A_88 = vector.broadcast %mul3A_87 : i32 to vector<16xi32>
        %add3A_89 = arith.addi %add3A_88, %mul3A_1 : vector<16xi32>
        %add3A_90 = arith.addi %add3A_89, %get3A_82 : vector<16xi32>
        %mul3A_91 = arith.constant 16 : i32
        %mul3A_92 = arith.muli %scan3A_78, %mul3A_91 : i32
        %swap3A = arith.index_cast %mul3A_92 : i32 to index
        %swap3A_93 = tpu.vector_load %arg9[%swap3A] {strides = array<i32>} : memref<7936xi32, #tpu.memory_space<vmem>>, vector<16xi32>,
        tpu.vector_store %arg9[%swap3A], %add3A_90 {strides = array<i32>} : memref<7936xi32, #tpu.memory_space<vmem>>, vector<16xi32>,
        %scan3A_94 = arith.constant 0 : i32
        scf.yield %scan3A_94 : i32
      }
      %scan3A_67 = arith.constant 496 : i32
      %dma_start3A = arith.constant 0 : i32
      %dma_start3A_68 = tpu.memref_slice %arg2[%dma_start3A] : memref<100000000xf32, #tpu.memory_space<hbm>> -> memref<100000000xf32, #tpu.memory_space<hbm>>
      tpu.enqueue_indirect_dma source(%dma_start3A_68 : memref<100000000xf32, #tpu.memory_space<hbm>>) target(%arg10 : memref<7936xf32, #tpu.memory_space<vmem>>) offsets(%arg9 : memref<7936xi32, #tpu.memory_space<vmem>>) semaphore(%arg18 : memref<!tpu.dma_semaphore, #tpu.memory_space<semaphore_mem>>)
      %dma_wait3A = arith.constant 0 : i32
      %dma_wait3A_69 = tpu.memref_slice %arg2[%dma_wait3A] : memref<100000000xf32, #tpu.memory_space<hbm>> -> memref<100000000xf32, #tpu.memory_space<hbm>>
      tpu.wait_indirect_dma semaphore(%arg18 : memref<!tpu.dma_semaphore, #tpu.memory_space<semaphore_mem>>) src(%dma_wait3A_69 : memref<100000000xf32, #tpu.memory_space<hbm>>) dst(%arg10 : memref<7936xf32, #tpu.memory_space<vmem>>)
      %scan3A_70 = arith.constant 0 : i32
      %scan3A_71 = arith.constant 0 : i32
      %scan3A_72 = arith.constant 496 : i32
      %scan3A_73 = arith.addi %scan3A_71, %scan3A_72 : i32
      %scan3A_74 = arith.constant 1 : i32
      %scan3A_75 = scf.for %scan3A_78 = %scan3A_71 to %scan3A_73 step %scan3A_74 iter_args(%scan3A_79 = %scan3A_70) -> (i32)  : i32 {
        %mul3A_80 = arith.constant 16 : i32
        %mul3A_81 = arith.muli %scan3A_78, %mul3A_80 : i32
        %get3A = arith.index_cast %mul3A_81 : i32 to index
        %get3A_82 = tpu.vector_load %arg7[%get3A] {strides = array<i32>} : memref<7936xi32, #tpu.memory_space<vmem>>, vector<16xi32>,
        %mul3A_83 = arith.constant 16 : i32
        %mul3A_84 = arith.muli %scan3A_78, %mul3A_83 : i32
        %get3A_85 = arith.index_cast %mul3A_84 : i32 to index
        %get3A_86 = tpu.vector_load %arg8[%get3A_85] {strides = array<i32>} : memref<7936xf32, #tpu.memory_space<vmem>>, vector<16xf32>,
        %mul3A_87 = arith.constant 16 : i32
        %mul3A_88 = arith.muli %scan3A_78, %mul3A_87 : i32
        %get3A_89 = arith.index_cast %mul3A_88 : i32 to index
        %get3A_90 = tpu.vector_load %arg10[%get3A_89] {strides = array<i32>} : memref<7936xf32, #tpu.memory_space<vmem>>, vector<16xf32>,
        %add3A_91 = arith.addi %mul3A_4, %get3A_82 : vector<16xi32>
        %eq3A_92 = arith.cmpf oeq, %get3A_90, %get3A_86 : vector<16xf32>
        %jit3A_93 = arith.constant 1.000000e+00 : f32
        %jit3A_94 = arith.constant 0.000000e+00 : f32
        %broadcast_in_dim3A_95 = vector.broadcast %jit3A_93 : f32 to vector<16xf32>
        %broadcast_in_dim3A_96 = vector.broadcast %jit3A_94 : f32 to vector<16xf32>
        %select_n3A_97 = arith.select %eq3A_92, %broadcast_in_dim3A_95, %broadcast_in_dim3A_96 : vector<16xi1>, vector<16xf32>
        tpu.vector_store_idx %arg13[%add3A_91], %broadcast_in_dim3A_5 {add = true} : memref<4096xf32, #tpu.memory_space<vmem>>[vector<16xi32>], vector<16xf32>,
        %add3A_98 = arith.constant 2048 : i32
        %add3A_99 = vector.broadcast %add3A_98 : i32 to vector<16xi32>
        %add3A_100 = arith.addi %add3A_91, %add3A_99 : vector<16xi32>
        tpu.vector_store_idx %arg13[%add3A_100], %select_n3A_97 {add = true} : memref<4096xf32, #tpu.memory_space<vmem>>[vector<16xi32>], vector<16xf32>,
        %scan3A_101 = arith.constant 0 : i32
        scf.yield %scan3A_101 : i32
      }
      %scan3A_76 = arith.constant 496 : i32
      %while3A_77 = arith.constant 0 : i32
      scf.yield %while3A_77 : i32
    }
    %eq3A = arith.constant 15 : i32
    %eq3A_46 = arith.cmpi eq, %arg1, %eq3A : i32
    %convert_element_type3A = arith.extui %eq3A_46 : i1 to i32
    %cond3A = arith.constant 0 : i32
    %cond3A_47 = arith.cmpi ne, %convert_element_type3A, %cond3A : i32
    scf.if %cond3A_47 {
      %scan3A_54 = arith.constant 0 : i32
      %scan3A_55 = arith.constant 0 : i32
      %scan3A_56 = arith.constant 8 : i32
      %scan3A_57 = arith.addi %scan3A_55, %scan3A_56 : i32
      %scan3A_58 = arith.constant 1 : i32
      %scan3A_59 = scf.for %scan3A_81 = %scan3A_55 to %scan3A_57 step %scan3A_58 iter_args(%scan3A_82 = %scan3A_54) -> (i32)  : i32 {
        %broadcast_in_dim3A_83 = arith.constant 0 : i32
        %broadcast_in_dim3A_84 = vector.broadcast %broadcast_in_dim3A_83 : i32 to vector<16xi32>
        %mul3A_85 = arith.constant 16 : i32
        %mul3A_86 = arith.muli %scan3A_81, %mul3A_85 : i32
        %swap3A = arith.index_cast %mul3A_86 : i32 to index
        %swap3A_87 = tpu.vector_load %arg11[%swap3A] {strides = array<i32>} : memref<128xi32, #tpu.memory_space<vmem>>, vector<16xi32>,
        tpu.vector_store %arg11[%swap3A], %broadcast_in_dim3A_84 {strides = array<i32>} : memref<128xi32, #tpu.memory_space<vmem>>, vector<16xi32>,
        %scan3A_88 = arith.constant 0 : i32
        scf.yield %scan3A_88 : i32
      }
      %scan3A_60 = arith.constant 8 : i32
      "tpu.region"() ({
        %run_scoped3A = tpu.sem_alloc : memref<!tpu.dma_semaphore, #tpu.memory_space<semaphore_mem>>
        %dma_start3A_81 = arith.constant 0 : i32
        %dma_start3A_82 = tpu.memref_slice %arg11[%dma_start3A_81] : memref<128xi32, #tpu.memory_space<vmem>> -> memref<64xi32, #tpu.memory_space<vmem>>
        %dma_start3A_83 = arith.constant 999936 : i32
        %dma_start3A_84 = tpu.memref_slice %arg3[%dma_start3A_83] : memref<1000000xi32, #tpu.memory_space<hbm>> -> memref<64xi32, #tpu.memory_space<hbm>>
        %dma_start3A_85 = arith.constant 0 : i32
        %dma_start3A_86 = tpu.memref_slice %arg11[%dma_start3A_85] : memref<128xi32, #tpu.memory_space<vmem>> -> memref<64xi32, #tpu.memory_space<vmem>>
        %dma_start3A_87 = arith.constant 999936 : i32
        %dma_start3A_88 = tpu.memref_slice %arg3[%dma_start3A_87] : memref<1000000xi32, #tpu.memory_space<hbm>> -> memref<64xi32, #tpu.memory_space<hbm>>
        tpu.enqueue_dma source(%dma_start3A_88 : memref<64xi32, #tpu.memory_space<hbm>>) target(%dma_start3A_86 : memref<64xi32, #tpu.memory_space<vmem>>) target_semaphore(%run_scoped3A : memref<!tpu.dma_semaphore, #tpu.memory_space<semaphore_mem>>)
        %dma_wait3A_89 = arith.constant 0 : i32
        %dma_wait3A_90 = tpu.memref_slice %arg11[%dma_wait3A_89] : memref<128xi32, #tpu.memory_space<vmem>> -> memref<64xi32, #tpu.memory_space<vmem>>
        %dma_wait3A_91 = arith.constant 999936 : i32
        %dma_wait3A_92 = tpu.memref_slice %arg3[%dma_wait3A_91] : memref<1000000xi32, #tpu.memory_space<hbm>> -> memref<64xi32, #tpu.memory_space<hbm>>
        %dma_wait3A_93 = arith.constant 0 : i32
        %dma_wait3A_94 = tpu.memref_slice %arg11[%dma_wait3A_93] : memref<128xi32, #tpu.memory_space<vmem>> -> memref<64xi32, #tpu.memory_space<vmem>>
        %dma_wait3A_95 = arith.constant 999936 : i32
        %dma_wait3A_96 = tpu.memref_slice %arg3[%dma_wait3A_95] : memref<1000000xi32, #tpu.memory_space<hbm>> -> memref<64xi32, #tpu.memory_space<hbm>>
        tpu.wait_dma2 semaphore(%run_scoped3A : memref<!tpu.dma_semaphore, #tpu.memory_space<semaphore_mem>>) src(%dma_wait3A_96 : memref<64xi32, #tpu.memory_space<hbm>>) dst(%dma_wait3A_94 : memref<64xi32, #tpu.memory_space<vmem>>)
        tpu.yield
      }) : () -> ()
      "tpu.region"() ({
        %run_scoped3A = tpu.sem_alloc : memref<!tpu.dma_semaphore, #tpu.memory_space<semaphore_mem>>
        %dma_start3A_81 = arith.constant 0 : i32
        %dma_start3A_82 = tpu.memref_slice %arg12[%dma_start3A_81] : memref<128xf32, #tpu.memory_space<vmem>> -> memref<64xf32, #tpu.memory_space<vmem>>
        %dma_start3A_83 = arith.constant 999936 : i32
        %dma_start3A_84 = tpu.memref_slice %arg4[%dma_start3A_83] : memref<1000000xf32, #tpu.memory_space<hbm>> -> memref<64xf32, #tpu.memory_space<hbm>>
        %dma_start3A_85 = arith.constant 0 : i32
        %dma_start3A_86 = tpu.memref_slice %arg12[%dma_start3A_85] : memref<128xf32, #tpu.memory_space<vmem>> -> memref<64xf32, #tpu.memory_space<vmem>>
        %dma_start3A_87 = arith.constant 999936 : i32
        %dma_start3A_88 = tpu.memref_slice %arg4[%dma_start3A_87] : memref<1000000xf32, #tpu.memory_space<hbm>> -> memref<64xf32, #tpu.memory_space<hbm>>
        tpu.enqueue_dma source(%dma_start3A_88 : memref<64xf32, #tpu.memory_space<hbm>>) target(%dma_start3A_86 : memref<64xf32, #tpu.memory_space<vmem>>) target_semaphore(%run_scoped3A : memref<!tpu.dma_semaphore, #tpu.memory_space<semaphore_mem>>)
        %dma_wait3A_89 = arith.constant 0 : i32
        %dma_wait3A_90 = tpu.memref_slice %arg12[%dma_wait3A_89] : memref<128xf32, #tpu.memory_space<vmem>> -> memref<64xf32, #tpu.memory_space<vmem>>
        %dma_wait3A_91 = arith.constant 999936 : i32
        %dma_wait3A_92 = tpu.memref_slice %arg4[%dma_wait3A_91] : memref<1000000xf32, #tpu.memory_space<hbm>> -> memref<64xf32, #tpu.memory_space<hbm>>
        %dma_wait3A_93 = arith.constant 0 : i32
        %dma_wait3A_94 = tpu.memref_slice %arg12[%dma_wait3A_93] : memref<128xf32, #tpu.memory_space<vmem>> -> memref<64xf32, #tpu.memory_space<vmem>>
        %dma_wait3A_95 = arith.constant 999936 : i32
        %dma_wait3A_96 = tpu.memref_slice %arg4[%dma_wait3A_95] : memref<1000000xf32, #tpu.memory_space<hbm>> -> memref<64xf32, #tpu.memory_space<hbm>>
        tpu.wait_dma2 semaphore(%run_scoped3A : memref<!tpu.dma_semaphore, #tpu.memory_space<semaphore_mem>>) src(%dma_wait3A_96 : memref<64xf32, #tpu.memory_space<hbm>>) dst(%dma_wait3A_94 : memref<64xf32, #tpu.memory_space<vmem>>)
        tpu.yield
      }) : () -> ()
      %scan3A_61 = arith.constant 0 : i32
      %scan3A_62 = arith.constant 0 : i32
      %scan3A_63 = arith.constant 4 : i32
      %scan3A_64 = arith.addi %scan3A_62, %scan3A_63 : i32
      %scan3A_65 = arith.constant 1 : i32
      %scan3A_66 = scf.for %scan3A_81 = %scan3A_62 to %scan3A_64 step %scan3A_65 iter_args(%scan3A_82 = %scan3A_61) -> (i32)  : i32 {
        %mul3A_83 = arith.constant 16 : i32
        %mul3A_84 = arith.muli %scan3A_81, %mul3A_83 : i32
        %get3A = arith.index_cast %mul3A_84 : i32 to index
        %get3A_85 = tpu.vector_load %arg11[%get3A] {strides = array<i32>} : memref<128xi32, #tpu.memory_space<vmem>>, vector<16xi32>,
        %mul3A_86 = arith.constant 16 : i32
        %mul3A_87 = arith.muli %scan3A_81, %mul3A_86 : i32
        %add3A_88 = arith.constant 999936 : i32
        %add3A_89 = arith.addi %add3A_88, %mul3A_87 : i32
        %mul3A_90 = arith.constant 100 : i32
        %mul3A_91 = arith.muli %add3A_89, %mul3A_90 : i32
        %add3A_92 = vector.broadcast %mul3A_91 : i32 to vector<16xi32>
        %add3A_93 = arith.addi %add3A_92, %mul3A_1 : vector<16xi32>
        %add3A_94 = arith.addi %add3A_93, %get3A_85 : vector<16xi32>
        %mul3A_95 = arith.constant 16 : i32
        %mul3A_96 = arith.muli %scan3A_81, %mul3A_95 : i32
        %swap3A = arith.index_cast %mul3A_96 : i32 to index
        %swap3A_97 = tpu.vector_load %arg11[%swap3A] {strides = array<i32>} : memref<128xi32, #tpu.memory_space<vmem>>, vector<16xi32>,
        tpu.vector_store %arg11[%swap3A], %add3A_94 {strides = array<i32>} : memref<128xi32, #tpu.memory_space<vmem>>, vector<16xi32>,
        %scan3A_98 = arith.constant 0 : i32
        scf.yield %scan3A_98 : i32
      }
      %scan3A_67 = arith.constant 4 : i32
      %dma_start3A = arith.constant 0 : i32
      %dma_start3A_68 = tpu.memref_slice %arg10[%dma_start3A] : memref<7936xf32, #tpu.memory_space<vmem>> -> memref<128xf32, #tpu.memory_space<vmem>>
      %dma_start3A_69 = arith.constant 0 : i32
      %dma_start3A_70 = tpu.memref_slice %arg2[%dma_start3A_69] : memref<100000000xf32, #tpu.memory_space<hbm>> -> memref<100000000xf32, #tpu.memory_space<hbm>>
      tpu.enqueue_indirect_dma source(%dma_start3A_70 : memref<100000000xf32, #tpu.memory_space<hbm>>) target(%dma_start3A_68 : memref<128xf32, #tpu.memory_space<vmem>>) offsets(%arg11 : memref<128xi32, #tpu.memory_space<vmem>>) semaphore(%arg18 : memref<!tpu.dma_semaphore, #tpu.memory_space<semaphore_mem>>)
      %dma_wait3A = arith.constant 0 : i32
      %dma_wait3A_71 = tpu.memref_slice %arg10[%dma_wait3A] : memref<7936xf32, #tpu.memory_space<vmem>> -> memref<128xf32, #tpu.memory_space<vmem>>
      %dma_wait3A_72 = arith.constant 0 : i32
      %dma_wait3A_73 = tpu.memref_slice %arg2[%dma_wait3A_72] : memref<100000000xf32, #tpu.memory_space<hbm>> -> memref<100000000xf32, #tpu.memory_space<hbm>>
      tpu.wait_indirect_dma semaphore(%arg18 : memref<!tpu.dma_semaphore, #tpu.memory_space<semaphore_mem>>) src(%dma_wait3A_73 : memref<100000000xf32, #tpu.memory_space<hbm>>) dst(%dma_wait3A_71 : memref<128xf32, #tpu.memory_space<vmem>>)
      %scan3A_74 = arith.constant 0 : i32
      %scan3A_75 = arith.constant 0 : i32
      %scan3A_76 = arith.constant 4 : i32
      %scan3A_77 = arith.addi %scan3A_75, %scan3A_76 : i32
      %scan3A_78 = arith.constant 1 : i32
      %scan3A_79 = scf.for %scan3A_81 = %scan3A_75 to %scan3A_77 step %scan3A_78 iter_args(%scan3A_82 = %scan3A_74) -> (i32)  : i32 {
        %mul3A_83 = arith.constant 16 : i32
        %mul3A_84 = arith.muli %scan3A_81, %mul3A_83 : i32
        %get3A = arith.index_cast %mul3A_84 : i32 to index
        %get3A_85 = tpu.vector_load %arg12[%get3A] {strides = array<i32>} : memref<128xf32, #tpu.memory_space<vmem>>, vector<16xf32>,
        %mul3A_86 = arith.constant 16 : i32
        %mul3A_87 = arith.muli %scan3A_81, %mul3A_86 : i32
        %get3A_88 = arith.index_cast %mul3A_87 : i32 to index
        %get3A_89 = tpu.vector_load %arg10[%get3A_88] {strides = array<i32>} : memref<7936xf32, #tpu.memory_space<vmem>>, vector<16xf32>,
        %mul3A_90 = arith.constant 16 : i32
        %mul3A_91 = arith.muli %scan3A_81, %mul3A_90 : i32
        %get3A_92 = arith.index_cast %mul3A_91 : i32 to index
        %get3A_93 = tpu.vector_load %arg11[%get3A_92] {strides = array<i32>} : memref<128xi32, #tpu.memory_space<vmem>>, vector<16xi32>,
        %mul3A_94 = arith.constant 16 : i32
        %mul3A_95 = arith.muli %scan3A_81, %mul3A_94 : i32
        %add3A_96 = arith.constant 999936 : i32
        %add3A_97 = arith.addi %add3A_96, %mul3A_95 : i32
        %mul3A_98 = arith.constant 100 : i32
        %mul3A_99 = arith.muli %add3A_97, %mul3A_98 : i32
        %sub3A_100 = vector.broadcast %mul3A_99 : i32 to vector<16xi32>
        %sub3A_101 = arith.subi %get3A_93, %sub3A_100 : vector<16xi32>
        %sub3A_102 = arith.subi %sub3A_101, %mul3A_1 : vector<16xi32>
        %add3A_103 = arith.addi %mul3A_4, %sub3A_102 : vector<16xi32>
        %eq3A_104 = arith.cmpf oeq, %get3A_89, %get3A_85 : vector<16xf32>
        %jit3A_105 = arith.constant 1.000000e+00 : f32
        %jit3A_106 = arith.constant 0.000000e+00 : f32
        %broadcast_in_dim3A_107 = vector.broadcast %jit3A_105 : f32 to vector<16xf32>
        %broadcast_in_dim3A_108 = vector.broadcast %jit3A_106 : f32 to vector<16xf32>
        %select_n3A_109 = arith.select %eq3A_104, %broadcast_in_dim3A_107, %broadcast_in_dim3A_108 : vector<16xi1>, vector<16xf32>
        tpu.vector_store_idx %arg13[%add3A_103], %broadcast_in_dim3A_5 {add = true} : memref<4096xf32, #tpu.memory_space<vmem>>[vector<16xi32>], vector<16xf32>,
        %add3A_110 = arith.constant 2048 : i32
        %add3A_111 = vector.broadcast %add3A_110 : i32 to vector<16xi32>
        %add3A_112 = arith.addi %add3A_103, %add3A_111 : vector<16xi32>
        tpu.vector_store_idx %arg13[%add3A_112], %select_n3A_109 {add = true} : memref<4096xf32, #tpu.memory_space<vmem>>[vector<16xi32>], vector<16xf32>,
        %scan3A_113 = arith.constant 0 : i32
        scf.yield %scan3A_113 : i32
      }
      %scan3A_80 = arith.constant 4 : i32
    } else {
    }
    "tpu.region"() ({
      %run_scoped3A = tpu.sem_alloc : memref<!tpu.dma_semaphore, #tpu.memory_space<semaphore_mem>>
      %dma_start3A = arith.constant 0 : i32
      %dma_start3A_54 = tpu.memref_slice %arg15[%arg1, %dma_start3A] : memref<16x4096xf32, #tpu.memory_space<vmem_shared>> -> memref<1x4096xf32, #tpu.memory_space<vmem_shared>>
      %dma_start3A_55 = tpu.memref_squeeze %dma_start3A_54 : memref<1x4096xf32, #tpu.memory_space<vmem_shared>> -> memref<4096xf32, #tpu.memory_space<vmem_shared>>
      %dma_start3A_56 = arith.constant 0 : i32
      %dma_start3A_57 = tpu.memref_slice %arg15[%arg1, %dma_start3A_56] : memref<16x4096xf32, #tpu.memory_space<vmem_shared>> -> memref<1x4096xf32, #tpu.memory_space<vmem_shared>>
      %dma_start3A_58 = tpu.memref_squeeze %dma_start3A_57 : memref<1x4096xf32, #tpu.memory_space<vmem_shared>> -> memref<4096xf32, #tpu.memory_space<vmem_shared>>
      tpu.enqueue_dma source(%arg13 : memref<4096xf32, #tpu.memory_space<vmem>>) target(%dma_start3A_58 : memref<4096xf32, #tpu.memory_space<vmem_shared>>) target_semaphore(%run_scoped3A : memref<!tpu.dma_semaphore, #tpu.memory_space<semaphore_mem>>)
      %dma_wait3A = arith.constant 0 : i32
      %dma_wait3A_59 = tpu.memref_slice %arg15[%arg1, %dma_wait3A] : memref<16x4096xf32, #tpu.memory_space<vmem_shared>> -> memref<1x4096xf32, #tpu.memory_space<vmem_shared>>
      %dma_wait3A_60 = tpu.memref_squeeze %dma_wait3A_59 : memref<1x4096xf32, #tpu.memory_space<vmem_shared>> -> memref<4096xf32, #tpu.memory_space<vmem_shared>>
      %dma_wait3A_61 = arith.constant 0 : i32
      %dma_wait3A_62 = tpu.memref_slice %arg15[%arg1, %dma_wait3A_61] : memref<16x4096xf32, #tpu.memory_space<vmem_shared>> -> memref<1x4096xf32, #tpu.memory_space<vmem_shared>>
      %dma_wait3A_63 = tpu.memref_squeeze %dma_wait3A_62 : memref<1x4096xf32, #tpu.memory_space<vmem_shared>> -> memref<4096xf32, #tpu.memory_space<vmem_shared>>
      tpu.wait_dma2 semaphore(%run_scoped3A : memref<!tpu.dma_semaphore, #tpu.memory_space<semaphore_mem>>) src(%arg13 : memref<4096xf32, #tpu.memory_space<vmem>>) dst(%dma_wait3A_63 : memref<4096xf32, #tpu.memory_space<vmem_shared>>)
      tpu.yield
    }) : () -> ()
    %barrier3A = arith.constant 0 : index
    tpu.barrier barrier_id(%barrier3A)
    %eq3A_48 = arith.constant 0 : i32
    %eq3A_49 = arith.cmpi eq, %arg1, %eq3A_48 : i32
    %convert_element_type3A_50 = arith.extui %eq3A_49 : i1 to i32
    %cond3A_51 = arith.constant 0 : i32
    %cond3A_52 = arith.cmpi ne, %convert_element_type3A_50, %cond3A_51 : i32
    scf.if %cond3A_52 {
      "tpu.region"() ({
        %run_scoped3A = tpu.sem_alloc : memref<!tpu.dma_semaphore, #tpu.memory_space<semaphore_mem>>
        tpu.enqueue_dma source(%arg15 : memref<16x4096xf32, #tpu.memory_space<vmem_shared>>) target(%arg14 : memref<16x4096xf32, #tpu.memory_space<vmem>>) target_semaphore(%run_scoped3A : memref<!tpu.dma_semaphore, #tpu.memory_space<semaphore_mem>>)
        tpu.wait_dma2 semaphore(%run_scoped3A : memref<!tpu.dma_semaphore, #tpu.memory_space<semaphore_mem>>) src(%arg15 : memref<16x4096xf32, #tpu.memory_space<vmem_shared>>) dst(%arg14 : memref<16x4096xf32, #tpu.memory_space<vmem>>)
        tpu.yield
      }) : () -> ()
      "tpu.region"() ({
        %run_scoped3A = tpu.sem_alloc : memref<!tpu.dma_semaphore, #tpu.memory_space<semaphore_mem>>
        tpu.enqueue_dma source(%arg5 : memref<128xf32, #tpu.memory_space<hbm>>) target(%arg17 : memref<128xf32, #tpu.memory_space<vmem>>) target_semaphore(%run_scoped3A : memref<!tpu.dma_semaphore, #tpu.memory_space<semaphore_mem>>)
        tpu.wait_dma2 semaphore(%run_scoped3A : memref<!tpu.dma_semaphore, #tpu.memory_space<semaphore_mem>>) src(%arg5 : memref<128xf32, #tpu.memory_space<hbm>>) dst(%arg17 : memref<128xf32, #tpu.memory_space<vmem>>)
        tpu.yield
      }) : () -> ()
      %scan3A_54 = arith.constant 0 : i32
      %scan3A_55 = arith.constant 8 : i32
      %scan3A_56 = arith.addi %scan3A_54, %scan3A_55 : i32
      %scan3A_57 = arith.constant 1 : i32
      %scan3A_58:2 = scf.for %scan3A_71 = %scan3A_54 to %scan3A_56 step %scan3A_57 iter_args(%scan3A_72 = %broadcast_in_dim3A_7, %scan3A_73 = %broadcast_in_dim3A_7) -> (vector<16xf32>, vector<16xf32>)  : i32 {
        %scan3A_74 = arith.constant 0 : i32
        %scan3A_75 = arith.constant 256 : i32
        %scan3A_76 = arith.addi %scan3A_74, %scan3A_75 : i32
        %scan3A_77 = arith.constant 1 : i32
        %scan3A_78:2 = scf.for %scan3A_94 = %scan3A_74 to %scan3A_76 step %scan3A_77 iter_args(%scan3A_95 = %broadcast_in_dim3A_7, %scan3A_96 = %broadcast_in_dim3A_7) -> (vector<16xf32>, vector<16xf32>)  : i32 {
          %jit3A_97 = arith.constant 16 : i32
          %div3A_98 = arith.divsi %scan3A_94, %jit3A_97 : i32
          %sign3A_99 = arith.constant 0 : i32
          %sign3A_100 = arith.cmpi sgt, %scan3A_94, %sign3A_99 : i32
          %sign3A_101 = arith.extui %sign3A_100 : i1 to i32
          %sign3A_102 = arith.constant 0 : i32
          %sign3A_103 = arith.cmpi slt, %scan3A_94, %sign3A_102 : i32
          %sign3A_104 = arith.extui %sign3A_103 : i1 to i32
          %sign3A_105 = arith.subi %sign3A_101, %sign3A_104 : i32
          %sign3A_106 = arith.constant 0 : i32
          %sign3A_107 = arith.cmpi sgt, %jit3A_97, %sign3A_106 : i32
          %sign3A_108 = arith.extui %sign3A_107 : i1 to i32
          %sign3A_109 = arith.constant 0 : i32
          %sign3A_110 = arith.cmpi slt, %jit3A_97, %sign3A_109 : i32
          %sign3A_111 = arith.extui %sign3A_110 : i1 to i32
          %sign3A_112 = arith.subi %sign3A_108, %sign3A_111 : i32
          %ne3A_113 = arith.cmpi ne, %sign3A_105, %sign3A_112 : i32
          %rem3A_114 = arith.remsi %scan3A_94, %jit3A_97 : i32
          %ne3A_115 = arith.constant 0 : i32
          %ne3A_116 = arith.cmpi ne, %rem3A_114, %ne3A_115 : i32
          %and3A_117 = arith.andi %ne3A_113, %ne3A_116 : i1
          %sub3A_118 = arith.constant 1 : i32
          %sub3A_119 = arith.subi %div3A_98, %sub3A_118 : i32
          %select_n3A_120 = arith.select %and3A_117, %sub3A_119, %div3A_98 : i32
          %jit3A_121 = arith.constant 16 : i32
          %eq3A_122 = arith.constant 0 : i32
          %eq3A_123 = arith.cmpi eq, %jit3A_121, %eq3A_122 : i32
          %jit3A_124 = arith.constant 1 : i32
          %select_n3A_125 = arith.select %eq3A_123, %jit3A_124, %jit3A_121 : i32
          %rem3A_126 = arith.remsi %scan3A_94, %select_n3A_125 : i32
          %ne3A_127 = arith.constant 0 : i32
          %ne3A_128 = arith.cmpi ne, %rem3A_126, %ne3A_127 : i32
          %lt3A = arith.constant 0 : i32
          %lt3A_129 = arith.cmpi slt, %rem3A_126, %lt3A : i32
          %lt3A_130 = arith.constant 0 : i32
          %lt3A_131 = arith.cmpi slt, %select_n3A_125, %lt3A_130 : i32
          %ne3A_132 = arith.xori %lt3A_129, %lt3A_131 : i1
          %and3A_133 = arith.andi %ne3A_132, %ne3A_128 : i1
          %add3A_134 = arith.addi %rem3A_126, %select_n3A_125 : i32
          %select_n3A_135 = arith.select %and3A_133, %add3A_134, %rem3A_126 : i32
          %mul3A_136 = arith.constant 128 : i32
          %mul3A_137 = arith.muli %select_n3A_135, %mul3A_136 : i32
          %mul3A_138 = arith.constant 16 : i32
          %mul3A_139 = arith.muli %scan3A_71, %mul3A_138 : i32
          %add3A_140 = arith.addi %mul3A_137, %mul3A_139 : i32
          %get3A_141 = arith.index_cast %select_n3A_120 : i32 to index
          %get3A_142 = arith.index_cast %add3A_140 : i32 to index
          %get3A_143 = tpu.vector_load %arg14[%get3A_141, %get3A_142] {strides = array<i32>} : memref<16x4096xf32, #tpu.memory_space<vmem>>, vector<16xf32>,
          %add3A_144 = arith.addf %scan3A_95, %get3A_143 : vector<16xf32>
          %add3A_145 = arith.constant 2048 : i32
          %add3A_146 = arith.addi %add3A_145, %add3A_140 : i32
          %get3A_147 = arith.index_cast %select_n3A_120 : i32 to index
          %get3A_148 = arith.index_cast %add3A_146 : i32 to index
          %get3A_149 = tpu.vector_load %arg14[%get3A_147, %get3A_148] {strides = array<i32>} : memref<16x4096xf32, #tpu.memory_space<vmem>>, vector<16xf32>,
          %add3A_150 = arith.addf %scan3A_96, %get3A_149 : vector<16xf32>
          scf.yield %add3A_144, %add3A_150 : vector<16xf32>, vector<16xf32>
        }
        %scan3A_79 = arith.constant 256 : i32
        %gt3A = arith.constant 0.000000e+00 : f32
        %gt3A_80 = vector.broadcast %gt3A : f32 to vector<16xf32>
        %gt3A_81 = arith.cmpf ogt, %scan3A_78#0, %gt3A_80 : vector<16xf32>
        %max3A = arith.constant 1.000000e+00 : f32
        %max3A_82 = vector.broadcast %max3A : f32 to vector<16xf32>
        %max3A_83 = arith.maximumf %scan3A_78#0, %max3A_82 : vector<16xf32>
        %div3A_84 = arith.divf %scan3A_78#1, %max3A_83 : vector<16xf32>
        %jit3A_85 = arith.constant 0.000000e+00 : f32
        %broadcast_in_dim3A_86 = vector.broadcast %jit3A_85 : f32 to vector<16xf32>
        %select_n3A_87 = arith.select %gt3A_81, %div3A_84, %broadcast_in_dim3A_86 : vector<16xi1>, vector<16xf32>
        %mul3A_88 = arith.constant 16 : i32
        %mul3A_89 = arith.muli %scan3A_71, %mul3A_88 : i32
        %get3A = arith.index_cast %mul3A_89 : i32 to index
        %get3A_90 = tpu.vector_load %arg17[%get3A] {strides = array<i32>} : memref<128xf32, #tpu.memory_space<vmem>>, vector<16xf32>,
        %mul3A_91 = arith.mulf %select_n3A_87, %get3A_90 : vector<16xf32>
        %add3A_92 = arith.addf %scan3A_72, %mul3A_91 : vector<16xf32>
        %add3A_93 = arith.addf %scan3A_73, %get3A_90 : vector<16xf32>
        scf.yield %add3A_92, %add3A_93 : vector<16xf32>, vector<16xf32>
      }
      %scan3A_59 = arith.constant 8 : i32
      %reduce_sum3A = arith.constant true
      %reduce_sum3A_60 = vector.broadcast %reduce_sum3A : i1 to vector<16xi1>
      %reduce_sum3A_61 = tpu.scan <sum>, %scan3A_58#0 masked %reduce_sum3A_60 : vector<16xf32>, vector<16xi1> -> vector<16xf32>
      %reduce_sum3A_62 = vector.extract %reduce_sum3A_61[15] : f32 from vector<16xf32>
      %broadcast_in_dim3A_63 = vector.broadcast %reduce_sum3A_62 : f32 to vector<16xf32>
      %reduce_sum3A_64 = arith.constant true
      %reduce_sum3A_65 = vector.broadcast %reduce_sum3A_64 : i1 to vector<16xi1>
      %reduce_sum3A_66 = tpu.scan <sum>, %scan3A_58#1 masked %reduce_sum3A_65 : vector<16xf32>, vector<16xi1> -> vector<16xf32>
      %reduce_sum3A_67 = vector.extract %reduce_sum3A_66[15] : f32 from vector<16xf32>
      %broadcast_in_dim3A_68 = vector.broadcast %reduce_sum3A_67 : f32 to vector<16xf32>
      %div3A_69 = arith.divf %broadcast_in_dim3A_63, %broadcast_in_dim3A_68 : vector<16xf32>
      %swap3A = arith.constant 0 : index
      %swap3A_70 = tpu.vector_load %arg16[%swap3A] {strides = array<i32>} : memref<16xf32, #tpu.memory_space<vmem>>, vector<16xf32>,
      tpu.vector_store %arg16[%swap3A], %div3A_69 {strides = array<i32>} : memref<16xf32, #tpu.memory_space<vmem>>, vector<16xf32>,
      "tpu.region"() ({
        %run_scoped3A = tpu.sem_alloc : memref<!tpu.dma_semaphore, #tpu.memory_space<semaphore_mem>>
        tpu.enqueue_dma source(%arg16 : memref<16xf32, #tpu.memory_space<vmem>>) target(%arg6 : memref<16xf32, #tpu.memory_space<hbm>>) target_semaphore(%run_scoped3A : memref<!tpu.dma_semaphore, #tpu.memory_space<semaphore_mem>>)
        tpu.wait_dma2 semaphore(%run_scoped3A : memref<!tpu.dma_semaphore, #tpu.memory_space<semaphore_mem>>) src(%arg16 : memref<16xf32, #tpu.memory_space<vmem>>) dst(%arg6 : memref<16xf32, #tpu.memory_space<hbm>>)
        tpu.yield
      }) : () -> ()
    } else {
    }
    %barrier3A_53 = arith.constant 0 : index
    tpu.barrier barrier_id(%barrier3A_53)
    return
  }
}

module attributes {stable_mosaic.version = 14 : i64} {
  func.func @_max_body(%arg0: i32, %arg1: memref<2000x100xf32, #tpu.memory_space<vmem>>, %arg2: memref<1x1x2000xf32, #tpu.memory_space<vmem>>) attributes {dimension_semantics = [#tpu.dimension_semantics<arbitrary>], iteration_bounds = array<i64: 500>, scalar_prefetch = 0 : i64, scratch_operands = 0 : i64, tpu.core_type = #tpu.core_type<tc>, window_params = [{transform_indices = @transform_0, window_bounds = array<i64: 2000, 100>}, {transform_indices = @transform_1, window_bounds = array<i64: 1, 1, 2000>}]} {
    %get3A = arith.constant 0 : index
    %get3A_0 = arith.constant 0 : index
    %get3A_1 = vector.load %arg1[%get3A, %get3A_0] : memref<2000x100xf32, #tpu.memory_space<vmem>>, vector<2000x100xf32>
    %transpose3A = tpu.transpose %get3A_1, [1, 0] : vector<2000x100xf32> -> vector<100x2000xf32>
    %reduce_max3A = arith.constant dense<0xFF800000> : vector<2000xf32>
    %reduce_max3A_2 = vector.multi_reduction <maximumf>, %transpose3A, %reduce_max3A [0] : vector<100x2000xf32> to vector<2000xf32>
    %broadcast_in_dim3A = vector.shape_cast %reduce_max3A_2 : vector<2000xf32> to vector<1x2000xf32>
    %swap3A = arith.constant 0 : index
    %swap3A_3 = arith.constant 0 : index
    %swap3A_4 = arith.constant 0 : index
    %swap3A_5 = vector.load %arg2[%swap3A, %swap3A_3, %swap3A_4] : memref<1x1x2000xf32, #tpu.memory_space<vmem>>, vector<1x1x2000xf32>
    %swap3A_6 = vector.shape_cast %swap3A_5 : vector<1x1x2000xf32> to vector<1x2000xf32>
    %swap3A_7 = vector.shape_cast %broadcast_in_dim3A : vector<1x2000xf32> to vector<1x1x2000xf32>
    tpu.vector_store %arg2[%swap3A, %swap3A_3, %swap3A_4], %swap3A_7 {strides = array<i32>} : memref<1x1x2000xf32, #tpu.memory_space<vmem>>, vector<1x1x2000xf32>,
    return
  }
  func.func @transform_0(%arg0: i32) -> (i32, i32) {
    %c0_i32 = arith.constant 0 : i32
    %c0_i32_0 = arith.constant 0 : i32
    return %arg0, %c0_i32 : i32, i32
  }
  func.func @transform_1(%arg0: i32) -> (i32, i32, i32) {
    %c0_i32 = arith.constant 0 : i32
    %c0_i32_0 = arith.constant 0 : i32
    %c0_i32_1 = arith.constant 0 : i32
    return %arg0, %c0_i32, %c0_i32_0 : i32, i32, i32
  }
}

</mosaic_0001>

<sc_bundles>
// kernel: kernel.4.cloned.1.call-start
scs
__scs_entry_jumppad:
0x0: {  	(pc) =	sbr.rel $0x88, $3  }
0x1: {  	(tag) =	ssettag $0x0;
	lr =	simm.s32 $0x1  }
0x2: {  	[smem:$0x3F9E] =	sst lr;
	_ =	strace $0xD0000000  }
0x3: {  	_ = 	snop  }
0x4: {  	_ = 	snop  }
0x5: {  	_ = 	snop  }
0x6: {  	_ = 	snop  }
0x7: {  	_ = 	snop  }
__scs_overlays_trampoline_lowered:
0x8: {  	[smem:$0x3FAD] =	sst s0  }
0x9: {  	[smem:$0x3FAE] =	sst s1  }
0xa: {  	[smem:$0x3FAF] =	sst s2  }
0xb: {  	[smem:$0x3FB0] =	sst s3  }
0xc: {  	[smem:$0x3FB1] =	sst s4  }
0xd: {  	[smem:$0x3FB2] =	sst s5  }
0xe: {  	[smem:$0x3FB3] =	sst s6  }
0xf: {  	[smem:$0x3FB4] =	sst s7  }
0x10: {  	[smem:$0x3FB5] =	sst s8  }
0x11: {  	[smem:$0x3FB6] =	sst s9;
	s0 =	simm.s32 @!p0 $0x0  }
0x12: {  	s1 =	sld [smem:$0x3F9C];
	s0 =	simm.s32 @p0 $0x1  }
0x13: {  	[smem:$0x3FB7] =	sst s0;
	s0 =	simm.s32 @!p1 $0x0  }
0x14: {  	s2 =	sld [smem:$0x3F9B];
	s0 =	simm.s32 @p1 $0x1  }
0x15: {  	[smem:$0x3FB8] =	sst s0;
	s0 =	simm.s32 @!p2 $0x0  }
0x16: {  	s3 =	sld [smem:$0x3FDB];
	s0 =	simm.s32 @p2 $0x1  }
0x17: {  	s4 =	simm.s32 $0x1BF5;
	[smem:$0x3FBA] =	sst s0  }
0x18: {  	s0 =	sld [smem:$0x3F9D];
	_ =	swait.ge [sflag:s4], $0x0  }
0x19: {  	s7 =	sld [smem:$0x3F9E]  }
0x1a: {  	s8 =	sadd.s32 $0xFFFFE003, lr  }
0x1b: {  	s9 =	sadd.s32 $0xFFFFFEF7, lr;
	s5 =	simm.s32 $0xFFFFFFFF;
	p2 =	slt.u32 s8, $0xFFFFF086  }
0x1c: {  	p1 =	slt.u32 s9, $0xF7A;
	s5 =	simm.s32 @!p2 $0x0  }
0x1d: {  	s5 =	simm.s32 @p1 $0x1;
	p0 =	seq.s32 s7, s2  }
0x1e: {  	s7 =	smul.u32 @!p0 $0xF7A, s2;
	p2 =	seq.s32 @!p0 s5, $0x0  }
0x1f: {  	s9 =	smul.u32 $0xF7A, s1;
	s8 =	simm.s32 @!p0 $0x1BF5;
	p2 =	por !p2, p0  }
0x20: {  	[sflag:s8] =	ssyncset.s32 @!p0 $0xFFFFF086;
	s6 =	sadd.s32 @!p0 s3, s7;
	s7 =	simm.s32 @!p0 $0x108  }
0x21: {  	s3 =	sadd.s32 s3, s9;
	s6 =	sadd.s32 @!p0 $0x88, s6;
	s7 =	simm.s32 @p2 $0x1082  }
0x22: {  	[simem:s7], [sflag:s8] =	dma.local @!p0 [hbm:s6], $0xF7A  }
0x23: {  	s9 =	sor.u32 $0xD0000000, s2;
	s6 =	simm.s32 $0x108;
	_ =	swait.ge @!p0 [sflag:s8], $0x0  }
0x24: {  	s3 =	sadd.s32 $0x88, s3;
	s6 =	simm.s32 @!p1 $0x1082;
	[sflag:s4] =	ssyncset.s32 $0xFFFFF086  }
0x25: {  	[simem:s6], [sflag:s4] =	dma.local [hbm:s3], $0xF7A  }
0x26: {  	[smem:$0x3F9E] =	sst s1;
	(tag) =	ssettag s2;
	_ =	strace s9  }
0x27: {  	s1 =	sld [smem:$0x3FAE]  }
0x28: {  	s2 =	sld [smem:$0x3FAF]  }
0x29: {  	s4 =	sld [smem:$0x3FB1]  }
0x2a: {  	p0 =	seq.s32 s5, $0x0;
	s5 =	sld [smem:$0x3FB2]  }
0x2b: {  	s6 =	sld [smem:$0x3FB3]  }
0x2c: {  	s7 =	sld [smem:$0x3FB4]  }
0x2d: {  	s3 =	simm.s32 $0x108;
	s8 =	sld [smem:$0x3FB5]  }
0x2e: {  	s3 =	simm.s32 @!p0 $0x1082;
	s9 =	sld [smem:$0x3FB6]  }
0x2f: {  	lr =	sadd.s32 s0, s3;
	s0 =	sld [smem:$0x3FAD]  }
0x30: {  	s3 =	sld [smem:$0x3FB0]  }
0x31: {  	[smem:$0x3FB9] =	sst s10  }
0x32: {  	s10 =	sld [smem:$0x3FB7];
	_ =	sdelay $0x3  }
0x33: {  	p0 =	seq.s32 s10, $0x1;
	s10 =	sld [smem:$0x3FB9];
	_ =	sdelay $0x3  }
0x34: {  	[smem:$0x3FB9] =	sst s10  }
0x35: {  	s10 =	sld [smem:$0x3FB8];
	_ =	sdelay $0x3  }
0x36: {  	p1 =	seq.s32 s10, $0x1;
	s10 =	sld [smem:$0x3FB9];
	_ =	sdelay $0x3  }
0x37: {  	[smem:$0x3FB9] =	sst s10  }
0x38: {  	s10 =	sld [smem:$0x3FBA]  }
0x39: {  	_ = 	snop;
	(pc) =	sbr.ind lr, $3  }
0x3a: {  	_ = 	snop  }
0x3b: {  	_ = 	snop  }
0x3c: {  	p2 =	seq.s32 s10, $0x1;
	s10 =	sld [smem:$0x3FB9]  }
0x3d: {  	_ =	shalt  }
0x3e: {  	_ =	shalt  }
0x3f: {  	_ =	shalt  }
0x40: {  	_ =	shalt  }
0x41: {  	_ =	shalt  }
0x42: {  	_ =	shalt  }
0x43: {  	_ =	shalt  }
0x44: {  	_ =	shalt  }
0x45: {  	_ =	shalt  }
0x46: {  	_ =	shalt  }
0x47: {  	_ =	shalt  }
0x48: {  	_ =	shalt  }
0x49: {  	_ =	shalt  }
0x4a: {  	_ =	shalt  }
0x4b: {  	_ =	shalt  }
0x4c: {  	_ =	shalt  }
0x4d: {  	_ =	shalt  }
0x4e: {  	_ =	shalt  }
0x4f: {  	_ =	shalt  }
0x50: {  	_ =	shalt  }
0x51: {  	_ =	shalt  }
0x52: {  	_ =	shalt  }
0x53: {  	_ =	shalt  }
0x54: {  	_ =	shalt  }
0x55: {  	_ =	shalt  }
0x56: {  	_ =	shalt  }
0x57: {  	_ =	shalt  }
0x58: {  	_ =	shalt  }
0x59: {  	_ =	shalt  }
0x5a: {  	_ =	shalt  }
0x5b: {  	_ =	shalt  }
0x5c: {  	_ =	shalt  }
0x5d: {  	_ =	shalt  }
0x5e: {  	_ =	shalt  }
0x5f: {  	_ =	shalt  }
0x60: {  	_ =	shalt  }
0x61: {  	_ =	shalt  }
0x62: {  	_ =	shalt  }
0x63: {  	_ =	shalt  }
0x64: {  	_ =	shalt  }
0x65: {  	_ =	shalt  }
0x66: {  	_ =	shalt  }
0x67: {  	_ =	shalt  }
0x68: {  	_ =	shalt  }
0x69: {  	_ =	shalt  }
0x6a: {  	_ =	shalt  }
0x6b: {  	_ =	shalt  }
0x6c: {  	_ =	shalt  }
0x6d: {  	_ =	shalt  }
0x6e: {  	_ =	shalt  }
0x6f: {  	_ =	shalt  }
0x70: {  	_ =	shalt  }
0x71: {  	_ =	shalt  }
0x72: {  	_ =	shalt  }
0x73: {  	_ =	shalt  }
0x74: {  	_ =	shalt  }
0x75: {  	_ =	shalt  }
0x76: {  	_ =	shalt  }
0x77: {  	_ =	shalt  }
0x78: {  	_ =	shalt  }
0x79: {  	_ =	shalt  }
0x7a: {  	_ =	shalt  }
0x7b: {  	_ =	shalt  }
0x7c: {  	_ =	shalt  }
0x7d: {  	_ =	shalt  }
0x7e: {  	_ =	shalt  }
0x7f: {  	_ =	shalt  }
0x80: {  	_ =	shalt  }
0x81: {  	_ =	shalt  }
0x82: {  	_ =	shalt  }
0x83: {  	_ =	shalt  }
0x84: {  	_ =	shalt  }
0x85: {  	_ =	shalt  }
0x86: {  	_ =	shalt  }
0x87: {  	_ =	shalt  }
.Lfunc_end0:
.L_simem_size_0:
called_computation_lowered:
.L_overlay_start_0:
0x88: {  	s0 =	sld [smem:$0x3FD9]  }
0x89: {  	s1 =	sld [smem:$0x3FFE];
	_ =	sdelay $0x3  }
0x8a: {  	s0 =	sadd.s32 s1, s0  }
0x8b: {  	[smem:$0x3FC5] =	sst s0  }
0x8c: {  	_ = 	snop  }
0x8d: {  	s0 =	sld [smem:$0x3FC8]  }
0x8e: {  	s16 =	sld [smem:$0x3FD0];
	(tm) =	ssettm $0x1  }
0x8f: {  	s2 =	sld [smem:$0x3FFB];
	_ =	sdelay $0x3  }
0x90: {  	_ =	strace s2  }
0x91: {  	s2 =	sld [smem:$0x3FFC];
	_ =	sdelay $0x3  }
0x92: {  	_ =	strace s2  }
0x93: {  	s2 =	sld [smem:$0x3FFD];
	_ =	sdelay $0x3  }
0x94: {  	_ =	strace s2  }
0x95: {  	_ =	strace $0x8FFFFFFF  }
0x96: {  	s17 =	sld [smem:$0x3FDB];
	_ =	sdelay $0x1  }
0x97: {  	s3 =	simm.s32 $_scs_section_size  }
0x98: {  	s4 =	simm.s32 $_size__tile_overlayer_lowered;
	s5 =	simm.s32 $_tile_overlayer_lowered  }
0x99: {  	s20 =	simm.s32 $0x1BFF;
	s19 =	sshll.u32 s5, $0x1;
	s2 =	sadd.s32 s3, s17  }
0x9a: {  	s6 =	simm.s32 $0x0;
	s18 =	sshll.u32 s4, $0x1;
	s4 =	sadd.s32 s19, s2  }
0x9b: {  	[timem:s6], [sflag:s20] =	dma.local [hbm:s4], s18  }
0x9c: {  	_ =	swait.ge [sflag:s20], s18  }
0x9d: {  	s3 =	ssub.s32 $0x0, s18;
	[sflag:s20] =	ssyncset.done $0x0  }
0x9e: {  	[sflag:s20] =	ssyncadd.s32 s3;
	_ =	sdelay $0x1  }
0x9f: {  	s21 =	simm.s32 $0x1B8B  }
0xa0: {  	_ =	swait.ge [sflag:s21], $0x1  }
0xa1: {  	[sflag:s21] =	ssyncset.done $0x0  }
0xa2: {  	s23 =	simm.s32 $0x1B8E;
	s22 =	sld [smem:$0x3FFE];
	[sflag:s21] =	ssyncadd.s32 $0xFFFFFFFF  }
0xa3: {  	s24 =	simm.s32 $execute0_lowered;
	[smem:$0x3FD2] =	sst s23  }
0xa4: {  	s4 =	sshll.u32 s24, $0x1;
	_ =	strace $0x80000046;
	[dreg:$0x1] =	wrdreg $0xFFFFFFFF  }
0xa5: {  	s25 =	simm.s32 $_size_execute0_lowered;
	s2 =	sadd.s32 s2, s4;
	[dreg:$0x0] =	wrdreg $0x0  }
0xa6: {  	s4 =	sshll.u32 s25, $0x1;
	[dreg:$0x2] =	wrdreg s2  }
0xa7: {  	[dreg:$0x3] =	wrdreg s4  }
0xa8: {  	[dreg:$0x4] =	wrdreg $0xC0  }
0xa9: {  	_ =	task [dreg:s6], $0x5FFFF  }
0xaa: {  	[dreg:$0x1] =	wrdreg $0xFFFFFFFF  }
0xab: {  	[dreg:$0x0] =	wrdreg $0x60  }
0xac: {  	[dreg:$0x2] =	wrdreg s22  }
0xad: {  	[dreg:$0x3] =	wrdreg s0  }
0xae: {  	[dreg:$0x4] =	wrdreg s16  }
0xaf: {  	[dreg:$0x5] =	wrdreg $0x18D000  }
0xb0: {  	[dreg:$0x6] =	wrdreg $0x9  }
0xb1: {  	_ =	task.clear_ibuf [dreg:s6], $0x7FFFF;
	_ =	strace $0x90000046  }
0xb2: {  	s26 =	simm.s32 $0x9;
	_ =	strace $0x80000048  }
0xb3: {  	_ =	swait.ge [sflag:s26], $0x1  }
0xb4: {  	[sflag:s26] =	ssyncadd.s32 $0xFFFFFFFF  }
0xb5: {  	_ =	strace $0x90000048  }
0xb6: {  	_ =	sfence  }
0xb7: {  	s28 =	sld [smem:$0x0];
	_ =	sdelay $0x1  }
0xb8: {  	s29 =	srdreg.scid  }
0xb9: {  	s30 =	sshll.u32 s29, $0xD;
	s31 =	sshrl.u32 s29, $0x2  }
0xba: {  	s1 =	sand.u32 $0x1, s29;
	s2 =	sand.u32 $0x4000, s30;
	s0 =	sadd.s32 s31, s28  }
0xbb: {  	s1 =	sor.u32 s2, s1;
	s0 =	sshll.u32 s0, $0x11  }
0xbc: {  	s0 =	sor.u32 s0, s1  }
0xbd: {  	s0 =	sadd.s32 $0x8F2B, s0  }
0xbe: {  	[sflag:s0] =	ssyncadd.remote.s32 $0x1  }
0xbf: {  	_ =	sfence.sel $0xFFFF  }
0xc0: {  	[dreg:$0x0] =	wrdreg $0xFFFFFFFF;
	(pc) =	sbr.abs _section_cstart, $3  }
0xc1: {  	[dreg:$0x1] =	wrdreg $0xFFFFFFFF  }
0xc2: {  	_ =	task.clear_ibuf [dreg:s6], $0x2FFFF;
	_ =	strace $0x9FFFFFFF  }
0xc3: {  	(tm) =	ssettm $0x7FFFFFFF  }
tec
execute0_lowered:
.L_overlay_start_1:
0x0: {  	(tag) =	ssettag $0x1  }
0x1: {  	s3 =	rddreg [dreg:$0x0]  }
0x2: {  	s7 =	rddreg [dreg:$0x1]  }
0x3: {  	s1 =	rddreg [dreg:$0x2]  }
0x4: {  	s2 =	rddreg [dreg:$0x3]  }
0x5: {  	s0 =	rddreg [dreg:$0x4]  }
0x6: {  	s4 =	simm.s32 $0x0;
	s5 =	simm.s32 $0x40;
	s18 =	simm.s32 $0x0  }
0x7: {  	[smem:$0x7FF] =	sst s4;
	s6 =	sadd.s32 $0xF42600, s3;
	s8 =	sadd.s32 $0x200, s3  }
0x8: {  	v2 =	vimm.f32 $0.0e+00;
	s3 =	sadd.s32 $0x1EC00, s3;
	s4 =	stileid.u32;
	_ =	strace $0x80000047  }
.LBB2_1:
0x9: {  	p0 =	sne.s32 s5, $0x3FC0;
	[tilespmem:s18+$0x7D00] =	vst v2;
	s9 =	smov.u32 s5;
	s5 =	sadd.s32 $0x40, s5  }
.Ltmp0:
0xa: {  	(pc) =	sbr.rel @p0 .LBB2_1-.Ltmp0, $2  }
0xb: {  	_ =	sdelay $0x2  }
0xc: {  	s18 =	sshra.s32 s9, $0x2  }
0xd: {  	s5 =	sshll.u32 s4, $0xC  }
0xe: {  	s9 =	ssub.s32 $0x8D, s4;
	s10 =	sshll.u32 s4, $0x7;
	s13 =	simm.s32 $0x0  }
0xf: {  	s14 =	simm.s32 $0x2;
	s15 =	simm.s32 $0x1F00;
	s16 =	simm.s32 $0x3E00  }
0x10: {  	v1 =	vlaneseq.u32;
	s17 =	simm.s32 $0x5D00;
	[tilespmem:s18+$0x7D00] =	vst v2;
	s18 =	simm.s32 $0x1;
	s19 =	simm.s32 $0x7D00  }
0x11: {  	s20 =	simm.s32 $0x0;
	s5 =	sand.u32 $0x8000, s5;
	s11 =	sshrl.u32 s9, $0x4;
	v0 =	vmul.u32 $0x80, v1  }
0x12: {  	v2 =	vimm.f32 $0.0e+00;
	s12 =	sand.u32 $0x380, s10;
	s10 =	sadd.s32 $0x1E840, s7;
	s5 =	sadd.s32 s5, s2  }
0x13: {  	v3 =	vimm.f32 $1.000000000e+00;
	s9 =	sadd.s32 $0x1E840, s8;
	v1 =	vmul.u32 $0x64, v1;
	s5 =	sadd.s32 s12, s5;
	s12 =	smul.u32 $0xC1C00, s4;
	v4 =	vor.u32 $0x800, v0  }
.LBB2_3:
0x14: {  	s21 =	sshll.u32 s20, $0x4  }
0x15: {  	s21 =	sor.u32 s4, s21  }
0x16: {  	s21 =	smul.u32 $0x1F00, s21;
	_ =	sdelay $0x1  }
0x17: {  	s21 =	sshrl.u32 s21, $0x3  }
0x18: {  	s22 =	sadd.s32 s7, s21  }
0x19: {  	[tilespmem:s13], [sflag:$0x2] =	stream.linear.gather [hbm4b:s22+s13], $0x1F00, $0x38;
	[tilespmem:$0x19E00] =	vst v63  }
0x1a: {  	_ =	swait.ge [sflag:s14], $0x1F00  }
0x1b: {  	[sflag:s14] =	ssyncset.done $0x0  }
0x1c: {  	s21 =	sadd.s32 s8, s21;
	[sflag:s14] =	ssyncadd.s32 $0xFFFFE100  }
0x1d: {  	[tilespmem:s15], [sflag:$0x2] =	stream.linear.gather [hbm4b:s21+s13], $0x1F00, $0x38;
	[tilespmem:$0x19E00] =	vst v63  }
0x1e: {  	_ =	swait.ge [sflag:s14], $0x1F00  }
0x1f: {  	[sflag:s14] =	ssyncset.done $0x0  }
0x20: {  	s21 =	simm.s32 $0x0;
	[sflag:s14] =	ssyncadd.s32 $0xFFFFE100  }
0x21: {  	v5 =	vld [tilespmem:s21+$0x0];
	_ =	sdelay $0x3  }
0x22: {  	s23 =	smov.u32 s12;
	s22 =	simm.s32 $0x40  }
.LBB2_4:
0x23: {  	s24 =	sshra.s32 s22, $0x2;
	p0 =	sne.s32 s22, $0x7BC0;
	s22 =	sadd.s32 $0x40, s22;
	v6 =	vadd.s32 s23, v5  }
.Ltmp1:
0x24: {  	v5 =	vld [tilespmem:s24+$0x0];
	v6 =	vadd.s32 v1, v6;
	(pc) =	sbr.rel @p0 .LBB2_4-.Ltmp1, $2  }
0x25: {  	[tilespmem:s21+$0x3E00] =	vst v6;
	s21 =	smov.u32 s24;
	_ =	sdelay $0x2  }
0x26: {  	s23 =	sadd.s32 $0x640, s23  }
0x27: {  	v5 =	vadd.s32 s23, v5  }
0x28: {  	v5 =	vadd.s32 v1, v5  }
0x29: {  	[tilespmem:s21+$0x3E00] =	vst v5  }
0x2a: {  	[tilespmem:s17], [sflag:$0x1] =	stream.indirect.gather [hbm4b:s6+s15], $0x1, s16, s15, $0xb8;
	[tilespmem:$0x19E00] =	vst v63  }
0x2b: {  	_ =	swait.ge [sflag:s18], $0x1F00  }
0x2c: {  	[sflag:s18] =	ssyncset.done $0x0  }
0x2d: {  	s22 =	simm.s32 $0x0;
	[sflag:s18] =	ssyncadd.s32 $0xFFFFE100  }
0x2e: {  	s21 =	simm.s32 $0x40;
	v5 =	vld [tilespmem:s22+$0x0]  }
.LBB2_6:
0x2f: {  	p0 =	sne.s32 s21, $0x7BC0;
	_ =	sdelay $0x1  }
0x30: {  	v6 =	vld [tilespmem:s22+$0x5D00]  }
0x31: {  	v7 =	vld [tilespmem:s22+$0x1F00]  }
0x32: {  	v8 =	vadd.s32 v0, v5  }
0x33: {  	v5 =	vadd.s32 v4, v5;
	_ =	sdelay $0x1  }
.Ltmp2:
0x34: {  	(pc) =	sbr.rel @p0 .LBB2_6-.Ltmp2, $4  }
0x35: {  	vm0 =	veq.f32 v6, v7  }
0x36: {  	v6 =	vsel vm0, $0x3F800000, v2;
	[tilespmem:v8+s19+$0x0] =	vst.idx.add.f32.msk $0xffff, v3  }
0x37: {  	s22 =	sshra.s32 s21, $0x2;
	[tilespmem:v5+s19+$0x0] =	vst.idx.add.f32.msk $0xffff, v6  }
0x38: {  	s21 =	sadd.s32 $0x40, s21;
	v5 =	vld [tilespmem:s22+$0x0]  }
0x39: {  	_ =	sdelay $0x1  }
0x3a: {  	v6 =	vld [tilespmem:s22+$0x5D00]  }
0x3b: {  	v7 =	vld [tilespmem:s22+$0x1F00]  }
0x3c: {  	s20 =	sadd.s32 $0x1, s20;
	v8 =	vadd.s32 v0, v5  }
0x3d: {  	p0 =	sne.s32 s20, s11;
	v5 =	vadd.s32 v4, v5  }
.Ltmp3:
0x3e: {  	_ = 	snop;
	(pc) =	sbr.rel @p0 .LBB2_3-.Ltmp3, $4  }
0x3f: {  	_ = 	snop  }
0x40: {  	vm0 =	veq.f32 v6, v7  }
0x41: {  	v6 =	vsel vm0, $0x3F800000, v2;
	[tilespmem:v8+s19+$0x0] =	vst.idx.add.f32.msk $0xffff, v3  }
0x42: {  	s12 =	sadd.s32 $0xC1C000, s12;
	[tilespmem:v5+s19+$0x0] =	vst.idx.add.f32.msk $0xffff, v6  }
0x43: {  	p0 =	sne.s32 s4, $0xF  }
.Ltmp4:
0x44: {  	_ = 	snop;
	(pc) =	sbr.rel @p0 .LBB2_10-.Ltmp4, $1  }
0x45: {  	_ =	sdelay $0x3  }
0x46: {  	v0 =	vimm.s32 $0x0  }
0x47: {  	[tilespmem:$0x7C00] =	vst v0  }
0x48: {  	[tilespmem:$0x7C10] =	vst v0  }
0x49: {  	[tilespmem:$0x7C20] =	vst v0  }
0x4a: {  	[tilespmem:$0x7C30] =	vst v0  }
0x4b: {  	[tilespmem:$0x7C40] =	vst v0  }
0x4c: {  	[tilespmem:$0x7C50] =	vst v0  }
0x4d: {  	[tilespmem:$0x7C60] =	vst v0  }
0x4e: {  	s7 =	simm.s32 $0x0;
	s8 =	simm.s32 $0x7C00;
	s26 =	simm.s32 $0x2;
	[tilespmem:$0x7C70] =	vst v0  }
0x4f: {  	[tilespmem:s8], [sflag:$0x2] =	stream.linear.gather [hbm4b:s10+s7], $0x40, $0x38;
	[tilespmem:$0x19E00] =	vst v63  }
0x50: {  	_ =	swait.ge [sflag:s26], $0x40  }
0x51: {  	[sflag:s26] =	ssyncset.done $0x0  }
0x52: {  	s11 =	simm.s32 $0x7C80;
	[sflag:s26] =	ssyncadd.s32 $0xFFFFFFC0  }
0x53: {  	[tilespmem:s11], [sflag:$0x2] =	stream.linear.gather [hbm4b:s9+s7], $0x40, $0x38;
	[tilespmem:$0x19E00] =	vst v63  }
0x54: {  	_ =	swait.ge [sflag:s26], $0x40  }
0x55: {  	[sflag:s26] =	ssyncset.done $0x0  }
0x56: {  	[sflag:s26] =	ssyncadd.s32 $0xFFFFFFC0  }
0x57: {  	v42 =	vld [tilespmem:$0x7C00]  }
0x58: {  	v1 =	vlaneseq.u32;
	v2 =	vld [tilespmem:$0x7C10]  }
0x59: {  	v3 =	vmul.u32 $0x64, v1;
	v4 =	vld [tilespmem:$0x7C20]  }
0x5a: {  	v5 =	vld [tilespmem:$0x7C30]  }
0x5b: {  	v6 =	vor.u32 $0x5F5C800, v3  }
0x5c: {  	v43 =	vadd.s32 $0x5F5CE40, v3;
	v0 =	vadd.s32 v6, v42  }
0x5d: {  	v45 =	vadd.s32 $0x5F5D480, v3;
	v44 =	vadd.s32 v43, v2;
	[tilespmem:$0x7C00] =	vst v0  }
0x5e: {  	v47 =	vadd.s32 $0x5F5DAC0, v3;
	v46 =	vadd.s32 v45, v4;
	[tilespmem:$0x7C10] =	vst v44  }
0x5f: {  	v48 =	vadd.s32 v47, v5;
	[tilespmem:$0x7C20] =	vst v46  }
0x60: {  	s28 =	simm.s32 $0x80;
	s29 =	simm.s32 $0x5D00;
	s30 =	simm.s32 $0x1;
	[tilespmem:$0x7C30] =	vst v48  }
0x61: {  	[tilespmem:s29], [sflag:$0x1] =	stream.indirect.gather [hbm4b:s6+s28], $0x1, s8, s28, $0xb8;
	[tilespmem:$0x19E00] =	vst v63  }
0x62: {  	_ =	swait.ge [sflag:s30], $0x80  }
0x63: {  	[sflag:s30] =	ssyncset.done $0x0  }
0x64: {  	[sflag:s30] =	ssyncadd.s32 $0xFFFFFF80  }
0x65: {  	v49 =	vld [tilespmem:$0x7C00];
	_ =	sdelay $0x1  }
0x66: {  	v1 =	vmul.u32 $0x1C, v1  }
0x67: {  	v50 =	vld [tilespmem:$0x7C80]  }
0x68: {  	v52 =	vor.u32 $0xFA0A3800, v1;
	v51 =	vld [tilespmem:$0x5D00]  }
0x69: {  	v53 =	vor.u32 $0xFA0A4000, v1;
	v4 =	vadd.s32 v52, v49  }
0x6a: {  	v0 =	vadd.s32 v53, v49;
	_ =	sdelay $0x2  }
0x6b: {  	v54 =	vimm.f32 $0.0e+00;
	v55 =	vimm.f32 $1.000000000e+00;
	s31 =	simm.s32 $0x7D00;
	vm0 =	veq.f32 v51, v50  }
0x6c: {  	v56 =	vsel vm0, $0x3F800000, v54;
	[tilespmem:v4+s31+$0x0] =	vst.idx.add.f32.msk $0xffff, v55  }
0x6d: {  	[tilespmem:v0+s31+$0x0] =	vst.idx.add.f32.msk $0xffff, v56  }
0x6e: {  	v0 =	vld [tilespmem:$0x7C10];
	_ =	sdelay $0x2  }
0x6f: {  	v4 =	vld [tilespmem:$0x7C90]  }
0x70: {  	v57 =	vadd.s32 $0xFA0A31C0, v1;
	v5 =	vld [tilespmem:$0x5D10]  }
0x71: {  	v7 =	vadd.s32 $0xFA0A39C0, v1;
	v6 =	vadd.s32 v57, v0  }
0x72: {  	v0 =	vadd.s32 v7, v0;
	_ =	sdelay $0x2  }
0x73: {  	vm13 =	veq.f32 v5, v4  }
0x74: {  	v4 =	vsel vm13, $0x3F800000, v54;
	[tilespmem:v6+s31+$0x0] =	vst.idx.add.f32.msk $0xffff, v55  }
0x75: {  	[tilespmem:v0+s31+$0x0] =	vst.idx.add.f32.msk $0xffff, v4  }
0x76: {  	v0 =	vld [tilespmem:$0x7C20];
	_ =	sdelay $0x2  }
0x77: {  	v4 =	vld [tilespmem:$0x7CA0]  }
0x78: {  	v59 =	vadd.s32 $0xFA0A2B80, v1;
	v58 =	vld [tilespmem:$0x5D20]  }
0x79: {  	v60 =	vadd.s32 $0xFA0A3380, v1;
	v6 =	vadd.s32 v59, v0  }
0x7a: {  	v0 =	vadd.s32 v60, v0;
	_ =	sdelay $0x2  }
0x7b: {  	vm14 =	veq.f32 v58, v4  }
0x7c: {  	v4 =	vsel vm14, $0x3F800000, v54;
	[tilespmem:v6+s31+$0x0] =	vst.idx.add.f32.msk $0xffff, v55  }
0x7d: {  	[tilespmem:v0+s31+$0x0] =	vst.idx.add.f32.msk $0xffff, v4  }
0x7e: {  	v0 =	vld [tilespmem:$0x7C30];
	_ =	sdelay $0x2  }
0x7f: {  	v4 =	vld [tilespmem:$0x7CB0]  }
0x80: {  	v62 =	vadd.s32 $0xFA0A2540, v1;
	v61 =	vld [tilespmem:$0x5D30]  }
0x81: {  	v1 =	vadd.s32 $0xFA0A2D40, v1;
	v6 =	vadd.s32 v62, v0  }
0x82: {  	v0 =	vadd.s32 v1, v0;
	_ =	sdelay $0x2  }
0x83: {  	vm15 =	veq.f32 v61, v4  }
0x84: {  	v63 =	vsel vm15, $0x3F800000, v54;
	[tilespmem:v6+s31+$0x0] =	vst.idx.add.f32.msk $0xffff, v55  }
0x85: {  	[tilespmem:v0+s31+$0x0] =	vst.idx.add.f32.msk $0xffff, v63  }
.LBB2_10:
0x86: {  	s6 =	simm.s32 $0x80;
	s7 =	simm.s32 $0x400;
	s8 =	simm.s32 $0x7D00  }
0x87: {  	[spmem:s5] =	stream.strided.scatter [tilespmem:s8], [sflag:$0x2], $0x1000, s7, s6, $0x38;
	[tilespmem:$0x19E00] =	vst v63  }
0x88: {  	s5 =	simm.s32 $0x2  }
0x89: {  	_ =	swait.ge [sflag:s5], $0x1000  }
0x8a: {  	[sflag:s5] =	ssyncset.done $0x0  }
0x8b: {  	[sflag:s5] =	ssyncadd.s32 $0xFFFFF000  }
0x8c: {  	p0 =	sne.s32 s4, $0x0;
	[bflag:$0x0] =	sbarrier.arrive $0xFFFF  }
0x8d: {  	[bflag:$0x0] =	sbarrier.arrive @p0 $0xFFFF  }
0x8e: {  	_ =	sfence.sel @p0 $0x180000  }
0x8f: {  	[bflag:$0x0] =	sbarrier.arrive @p0 $0xFFFF  }
0x90: {  	_ =	strace @p0 $0x90000047  }
0x91: {  	[bflag:$0x2] =	sbarrier.arrive @p0 $0xFFFF  }
0x92: {  	_ =	shalt @p0  }
.LBB2_11:
0x93: {  	s4 =	simm.s32 $0x8D00  }
0x94: {  	[tilespmem:s4], [sflag:$0x2] =	stream.linear.gather [spmem:s2], $0x10000, $0x38;
	[tilespmem:$0x19E00] =	vst v63  }
0x95: {  	_ =	swait.ge [sflag:s5], $0x10000  }
0x96: {  	[sflag:s5] =	ssyncset.done $0x0  }
0x97: {  	s31 =	simm.s32 $0x19D80;
	s2 =	simm.s32 $0x0;
	[sflag:s5] =	ssyncadd.s32 $0xFFFF0000  }
0x98: {  	[tilespmem:s31], [sflag:$0x2] =	stream.linear.gather [hbm4b:s3+s2], $0x80, $0x38;
	[tilespmem:$0x19E00] =	vst v63  }
0x99: {  	_ =	swait.ge [sflag:s5], $0x80  }
0x9a: {  	[sflag:s5] =	ssyncset.done $0x0  }
0x9b: {  	v1 =	vimm.f32 $0.0e+00;
	v0 =	vimm.f32 $0.0e+00;
	v2 =	vimm.f32 $0.0e+00;
	s3 =	simm.s32 $0x0;
	[sflag:s5] =	ssyncadd.s32 $0xFFFFFF80  }
.LBB2_12:
0x9c: {  	s4 =	simm.s32 $0x0;
	s5 =	sand.u32 $0xF000, s2  }
0x9d: {  	s6 =	sand.u32 $0x8000, s4;
	s5 =	sshrl.u32 s5, $0x2  }
0x9e: {  	s7 =	simm.s32 $0x0;
	s4 =	sshll.u32 s3, $0x4;
	s5 =	sor.u32 s5, s6  }
0x9f: {  	s28 =	sand.u32 $0x380, s7;
	s5 =	sadd.s32 s4, s5  }
0xa0: {  	s7 =	sadd.s32 s28, s5  }
0xa1: {  	s5 =	simm.s32 $0x1000;
	v3 =	vld [tilespmem:s7+$0xCD00]  }
0xa2: {  	s29 =	simm.s32 $0x100;
	s8 =	sand.u32 $0xF000, s5  }
0xa3: {  	s6 =	sand.u32 $0x8000, s29;
	v5 =	vld [tilespmem:s7+$0x8D00];
	s8 =	sshrl.u32 s8, $0x2  }
0xa4: {  	s9 =	simm.s32 $0x8;
	s6 =	sor.u32 s8, s6  }
0xa5: {  	s30 =	sand.u32 $0x380, s9;
	s31 =	sadd.s32 s4, s6  }
0xa6: {  	v4 =	vimm.f32 $0.0e+00;
	s6 =	simm.s32 $0x2;
	s7 =	sadd.s32 s30, s31;
	v3 =	vadd.f32 v3, v1  }
.LBB2_13:
0xa7: {  	s8 =	sshll.u32 s6, $0x8  }
0xa8: {  	v6 =	vld [tilespmem:s7+$0xCD00];
	s5 =	sadd.s32 $0x1000, s5;
	v4 =	vadd.f32 v5, v4;
	s9 =	smov.u32 s6;
	p0 =	sne.s32 s6, $0xFF  }
.Ltmp5:
0xa9: {  	s6 =	sadd.s32 $0x1, s6;
	s10 =	sand.u32 $0xF000, s5;
	v5 =	vld [tilespmem:s7+$0x8D00];
	(pc) =	sbr.rel @p0 .LBB2_13-.Ltmp5, $4  }
0xaa: {  	s7 =	sand.u32 $0x8000, s8;
	s8 =	sshrl.u32 s10, $0x2  }
0xab: {  	s9 =	sshll.u32 s9, $0x3;
	s7 =	sor.u32 s8, s7  }
0xac: {  	s8 =	sand.u32 $0x380, s9;
	s7 =	sadd.s32 s4, s7  }
0xad: {  	s7 =	sadd.s32 s8, s7;
	v3 =	vadd.f32 v6, v3  }
0xae: {  	v6 =	vld [tilespmem:s7+$0x8D00];
	_ =	sdelay $0x2  }
0xaf: {  	v4 =	vadd.f32 v5, v4;
	_ =	sdelay $0x1  }
0xb0: {  	v4 =	vadd.f32 v6, v4;
	_ =	sdelay $0x1  }
0xb1: {  	v60 =	vmax.f32 v4, $1.000000000e+00  }
0xb2: {  	(erf) = vrcp.f32 v60;
	_ =	sdelay $0x2  }
0xb3: {  	v61 =	vld [tilespmem:s7+$0xCD00];
	_ =	sdelay $0x3  }
0xb4: {  	s4 =	sand.u32 $0x3FFFFFF0, s4  }
0xb5: {  	v62 =	vld [tilespmem:s4+$0x19D80];
	v3 =	vadd.f32 v61, v3  }
0xb6: {  	v63 =	vpop (erf)  }
0xb7: {  	v3 =	vmul.f32 v63, v3  }
0xb8: {  	vm0 =	vgt.f32 v4, $0.0e+00  }
0xb9: {  	v3 =	vnsel vm0, $0x0, v3  }
0xba: {  	v3 =	vmul.f32 v62, v3;
	_ =	sdelay $0x1  }
0xbb: {  	s3 =	sadd.s32 $0x1, s3;
	v2 =	vadd.f32 v3, v2  }
0xbc: {  	p0 =	sne.s32 s3, $0x8;
	v0 =	vadd.f32 v62, v0  }
0xbd: {  	(xrf2) =	vadd.scan.msk.f32 @!p0 $0xffff, v2  }
0xbe: {  	(xrf2) =	vadd.scan.msk.f32 @!p0 $0xffff, v0;
	_ =	sdelay $0x8  }
0xbf: {  	v0, _, _ =	vpop @!p0 (xrf2)  }
0xc0: {  	v1, _, _ =	vpop @!p0 (xrf2)  }
0xc1: {  	v1 =	vbroadcast @!p0 v1, $0xF;
	_ =	sdelay $0x1  }
0xc2: {  	(erf) = vrcp.f32 @!p0 v1;
	_ =	sdelay $0x7  }
0xc3: {  	v0 =	vbroadcast @!p0 v0, $0xF  }
0xc4: {  	v1 =	vpop @!p0 (erf)  }
0xc5: {  	v0 =	vmul.f32 @!p0 v1, v0;
	_ =	sdelay $0x1  }
0xc6: {  	s2 =	simm.s32 @!p0 $0x0;
	s3 =	simm.s32 @!p0 $0x19D00;
	[tilespmem:$0x19D00] =	vst @!p0 v0  }
0xc7: {  	[hbm4b:s1+s2] =	stream.linear.scatter @!p0 [tilespmem:s3], [sflag:$0x2], $0x80, $0x38;
	[tilespmem:$0x19E00] =	vst v63  }
0xc8: {  	s1 =	simm.s32 @!p0 $0x2  }
0xc9: {  	_ =	swait.ge @!p0 [sflag:s1], $0x80  }
0xca: {  	[sflag:s1] =	ssyncset.done @!p0 $0x0  }
0xcb: {  	[sflag:s1] =	ssyncadd.s32 @!p0 $0xFFFFFF80  }
0xcc: {  	[bflag:$0x0] =	sbarrier.arrive @!p0 $0xFFFF  }
0xcd: {  	_ =	sfence.sel @!p0 $0x180000  }
0xce: {  	[bflag:$0x0] =	sbarrier.arrive @!p0 $0xFFFF  }
0xcf: {  	_ =	strace @!p0 $0x90000047  }
0xd0: {  	s0 =	sadd.s32 @!p0 $0x100000, s0;
	[bflag:$0x2] =	sbarrier.arrive @!p0 $0xFFFF  }
0xd1: {  	[sflag:s0] =	ssyncadd.tile.s32 @!p0 $0x1;
	_ =	shalt @!p0  }
.Ltmp6:
0xd2: {  	_ = 	snop;
	(pc) =	sbr.rel .LBB2_12-.Ltmp6, $4  }
0xd3: {  	_ = 	snop  }
0xd4: {  	_ = 	snop  }
0xd5: {  	_ = 	snop  }
0xd6: {  	_ = 	snop  }
.Lfunc_end2:
_tile_overlayer_lowered:
.L_overlay_start_2:
0xd7: {  	(tag) =	ssettag $0x2  }
0xd8: {  	s0 =	rddreg [dreg:$0x0];
	s2 =	stileid.u32  }
0xd9: {  	s1 =	rddreg [dreg:$0x1];
	p0 =	sne.s32 s2, $0x0  }
0xda: {  	s3 =	rddreg [dreg:$0x2];
	[bflag:$0x3] =	sbarrier.arrive $0xFFFF;
	s2 =	simm.s32 @!p0 $0x1C02  }
0xdb: {  	[timem:s3], [sflag:s2] =	dma.local @!p0 [hbm:s0], s1  }
0xdc: {  	s0 =	simm.s32 @!p0 $0x2  }
0xdd: {  	_ =	swait.ge @!p0 [sflag:s0], s1  }
0xde: {  	s1 =	ssub.s32 @!p0 $0x0, s1;
	[sflag:s0] =	ssyncset.done @!p0 $0x0  }
0xdf: {  	[sflag:s0] =	ssyncadd.s32 @!p0 s1  }
0xe0: {  	[bflag:$0x3] =	sbarrier.arrive $0xFFFF  }
0xe1: {  	_ =	shalt  }

</sc_bundles>
